<compile_context>
chip_gen: v7x
topology: tpu7x:2x2x1
jax: 0.10.2.dev20260603
libtpu: 0.0.44.dev20260713+nightly
codegen_flags: <defaults>
</compile_context>

<pallas_src>
import functools

import jax
import jax.numpy as jnp
from jax import lax
from jax.experimental import pallas as pl
from jax.experimental.pallas import tpu as pltpu
from jax.experimental.pallas import tpu_sc as plsc

_VOCAB = 10
_ROWS_PAD = 16
_EMB_DIM = 8
_LANES = 16
_TAB = _EMB_DIM * _ROWS_PAD

_GATHER_DNUMS = lax.GatherDimensionNumbers(
    offset_dims=(), collapsed_slice_dims=(0,), start_index_map=(0,))


def _vgather(vec, idx):
    return lax.gather(vec, idx[:, None], _GATHER_DNUMS, slice_sizes=(1,),
                      mode=lax.GatherScatterMode.PROMISE_IN_BOUNDS)


def _bcast(vec, j):
    return _vgather(vec, jnp.full((_LANES,), j, jnp.int32))


@functools.lru_cache(maxsize=None)
def _build(batch):
    info = plsc.get_sparse_core_info()
    nc, ns = info.num_cores, info.num_subcores
    nw = nc * ns
    per_w = batch // nw
    assert batch % (8 * nw) == 0
    n_chunks = per_w // _LANES

    mesh = plsc.VectorSubcoreMesh(core_axis_name="c", subcore_axis_name="s")

    @functools.partial(
        pl.kernel,
        mesh=mesh,
        out_type=jax.ShapeDtypeStruct((batch,), jnp.float32),
        scratch_types=[
            pltpu.VMEM((per_w,), jnp.int32),
            pltpu.VMEM((_TAB + _LANES,), jnp.float32),
            pltpu.VMEM((per_w,), jnp.float32),
            pltpu.SemaphoreType.DMA,
        ],
    )
    def sc_kernel(x_hbm, tab_hbm, out_hbm, x_v, tab_v, out_v, sem):
        wid = lax.axis_index("s") * nc + lax.axis_index("c")
        base = wid * per_w

        cp = pltpu.async_copy(x_hbm.at[pl.ds(base, per_w)], x_v, sem)
        pltpu.sync_copy(tab_hbm, tab_v)

        wb = tab_v[pl.ds(_TAB, _LANES)]
        acc = _bcast(wb, _EMB_DIM)
        for j in range(_EMB_DIM):
            col = tab_v[pl.ds(j * _LANES, _LANES)]
            acc = acc + col * _bcast(wb, j)
        lut = 1.0 / (1.0 + jnp.exp(-acc))

        cp.wait()
        for i in range(n_chunks):
            x = x_v[pl.ds(i * _LANES, _LANES)]
            idx = jnp.where((x >= 1) & (x <= _VOCAB), x, 0)
            out_v[pl.ds(i * _LANES, _LANES)] = _vgather(lut, idx)

        pltpu.sync_copy(out_v, out_hbm.at[pl.ds(base, per_w)])

    return sc_kernel


def kernel(inputs, emb_table, dense_W, dense_b):
    batch = inputs.shape[0]
    x = inputs.reshape(batch)
    embt = jnp.pad(
        emb_table, ((0, _ROWS_PAD - emb_table.shape[0]), (0, 0))
    ).T.reshape(-1)
    tab = jnp.concatenate(
        [embt, dense_W.reshape(-1), dense_b.reshape(-1),
         jnp.zeros((_LANES - _EMB_DIM - 1,), jnp.float32)]
    )
    out = _build(batch)(x, tab)
    return out.reshape(batch, 1)

# --- scband reference (transcript-rebuilt; emitter-appended) ---
"""Pipeline reference for scband-my-model-87522843559085 (READ-ONLY COPY).

The authoritative reference and input builder live on the scoring server;
editing this copy changes nothing except your own understanding.
"""

import jax, jax.numpy as jnp
import numpy as np

VOCAB_SIZE = 10  # vocabulary = range(1, 11)
NUM_OOV = 1
EMB_ROWS = VOCAB_SIZE + 2  # input_dim = len(vocabulary) + 2 = 12
EMB_DIM = 8
BATCH = 16384


def setup_inputs(seed: int = 0) -> dict:
    key = jax.random.key(seed)
    k1, k2, k3 = jax.random.split(key, 3)
    inputs = jax.random.randint(k1, (BATCH, 1), 0, 10).astype(jnp.int32)
    emb_table = jax.random.normal(k2, (EMB_ROWS, EMB_DIM), dtype=jnp.float32) * 0.05
    dense_W = jax.random.normal(k3, (EMB_DIM, 1), dtype=jnp.float32) * 0.05
    dense_b = jnp.zeros((1,), dtype=jnp.float32)
    return {"inputs": inputs, "emb_table": emb_table, "dense_W": dense_W, "dense_b": dense_b}


def integer_lookup(x):
    # IntegerLookup(vocabulary=[1..10], num_oov_indices=1):
    # token v in [1,10] -> index (v-1) + 1 = v ; anything else -> OOV index 0
    return jnp.where((x >= 1) & (x <= VOCAB_SIZE), x, 0)


def reference(inputs, emb_table, dense_W, dense_b):
    idx = integer_lookup(inputs)                    # [B, 1] int
    x = jnp.take(emb_table, idx, axis=0)            # [B, 1, 8] embedding gather
    x = jnp.squeeze(x, axis=1)                      # [B, 8]
    out = jax.nn.sigmoid(x @ dense_W + dense_b)     # [B, 1]
    return out

if __name__ == "__main__":
    import jax
    _d = setup_inputs()
    print(jax.jit(kernel)(*tuple(_d.values())))

</pallas_src>

<mosaic_0001>
#map = affine_map<(d0, d1) -> (0)>
module attributes {stable_mosaic.version = 14 : i64} {
  func.func @sc_kernel(%arg0: i32, %arg1: i32, %arg2: memref<16384xi32, #tpu.memory_space<hbm>>, %arg3: memref<144xf32, #tpu.memory_space<hbm>>, %arg4: memref<16384xf32, #tpu.memory_space<hbm>>, %arg5: memref<512xi32, #tpu.memory_space<vmem>>, %arg6: memref<144xf32, #tpu.memory_space<vmem>>, %arg7: memref<512xf32, #tpu.memory_space<vmem>>, %arg8: memref<!tpu.dma_semaphore, #tpu.memory_space<semaphore_mem>>) attributes {dimension_semantics = [#tpu.dimension_semantics<core_parallel>, #tpu.dimension_semantics<subcore_parallel>], iteration_bounds = array<i64: 2, 16>, scalar_prefetch = 0 : i64, scratch_operands = 4 : i64, tpu.core_type = #tpu.core_type<sc_vector_subcore>, window_params = [{transform_indices = #map}, {transform_indices = #map}, {transform_indices = #map}]} {
    %mul3A = arith.constant 2 : i32
    %mul3A_0 = arith.muli %arg1, %mul3A : i32
    %add3A = arith.addi %mul3A_0, %arg0 : i32
    %mul3A_1 = arith.constant 512 : i32
    %mul3A_2 = arith.muli %add3A, %mul3A_1 : i32
    %dma_start3A = tpu.memref_slice %arg2[%mul3A_2] : memref<16384xi32, #tpu.memory_space<hbm>> -> memref<512xi32, #tpu.memory_space<hbm>>
    %dma_start3A_3 = tpu.memref_slice %arg2[%mul3A_2] : memref<16384xi32, #tpu.memory_space<hbm>> -> memref<512xi32, #tpu.memory_space<hbm>>
    tpu.enqueue_dma source(%dma_start3A_3 : memref<512xi32, #tpu.memory_space<hbm>>) target(%arg5 : memref<512xi32, #tpu.memory_space<vmem>>) target_semaphore(%arg8 : memref<!tpu.dma_semaphore, #tpu.memory_space<semaphore_mem>>)
    "tpu.region"() ({
      %run_scoped3A = tpu.sem_alloc : memref<!tpu.dma_semaphore, #tpu.memory_space<semaphore_mem>>
      tpu.enqueue_dma source(%arg3 : memref<144xf32, #tpu.memory_space<hbm>>) target(%arg6 : memref<144xf32, #tpu.memory_space<vmem>>) target_semaphore(%run_scoped3A : memref<!tpu.dma_semaphore, #tpu.memory_space<semaphore_mem>>)
      tpu.wait_dma2 semaphore(%run_scoped3A : memref<!tpu.dma_semaphore, #tpu.memory_space<semaphore_mem>>) src(%arg3 : memref<144xf32, #tpu.memory_space<hbm>>) dst(%arg6 : memref<144xf32, #tpu.memory_space<vmem>>)
      tpu.yield
    }) : () -> ()
    %get3A = arith.constant 128 : index
    %get3A_4 = tpu.vector_load %arg6[%get3A] {strides = array<i32>} : memref<144xf32, #tpu.memory_space<vmem>>, vector<16xf32>,
    %get3A_5 = vector.shape_cast %get3A_4 : vector<16xf32> to vector<16xf32>
    %broadcast_in_dim3A = arith.constant 8 : i32
    %broadcast_in_dim3A_6 = vector.broadcast %broadcast_in_dim3A : i32 to vector<16xi32>
    %broadcast_in_dim3A_7 = vector.shape_cast %broadcast_in_dim3A_6 : vector<16xi32> to vector<16x1xi32>
    %gather3A = vector.shape_cast %broadcast_in_dim3A_7 : vector<16x1xi32> to vector<16xi32>
    %gather3A_8 = tpu.dynamic_gather %get3A_5[%gather3A] in [0] : vector<16xf32>, vector<16xi32> -> vector<16xf32>
    %get3A_9 = arith.constant 0 : index
    %get3A_10 = tpu.vector_load %arg6[%get3A_9] {strides = array<i32>} : memref<144xf32, #tpu.memory_space<vmem>>, vector<16xf32>,
    %get3A_11 = vector.shape_cast %get3A_10 : vector<16xf32> to vector<16xf32>
    %broadcast_in_dim3A_12 = arith.constant 0 : i32
    %broadcast_in_dim3A_13 = vector.broadcast %broadcast_in_dim3A_12 : i32 to vector<16xi32>
    %broadcast_in_dim3A_14 = vector.shape_cast %broadcast_in_dim3A_13 : vector<16xi32> to vector<16x1xi32>
    %gather3A_15 = vector.shape_cast %broadcast_in_dim3A_14 : vector<16x1xi32> to vector<16xi32>
    %gather3A_16 = tpu.dynamic_gather %get3A_5[%gather3A_15] in [0] : vector<16xf32>, vector<16xi32> -> vector<16xf32>
    %mul3A_17 = arith.mulf %get3A_11, %gather3A_16 : vector<16xf32>
    %add3A_18 = arith.addf %gather3A_8, %mul3A_17 : vector<16xf32>
    %get3A_19 = arith.constant 16 : index
    %get3A_20 = tpu.vector_load %arg6[%get3A_19] {strides = array<i32>} : memref<144xf32, #tpu.memory_space<vmem>>, vector<16xf32>,
    %get3A_21 = vector.shape_cast %get3A_20 : vector<16xf32> to vector<16xf32>
    %broadcast_in_dim3A_22 = arith.constant 1 : i32
    %broadcast_in_dim3A_23 = vector.broadcast %broadcast_in_dim3A_22 : i32 to vector<16xi32>
    %broadcast_in_dim3A_24 = vector.shape_cast %broadcast_in_dim3A_23 : vector<16xi32> to vector<16x1xi32>
    %gather3A_25 = vector.shape_cast %broadcast_in_dim3A_24 : vector<16x1xi32> to vector<16xi32>
    %gather3A_26 = tpu.dynamic_gather %get3A_5[%gather3A_25] in [0] : vector<16xf32>, vector<16xi32> -> vector<16xf32>
    %mul3A_27 = arith.mulf %get3A_21, %gather3A_26 : vector<16xf32>
    %add3A_28 = arith.addf %add3A_18, %mul3A_27 : vector<16xf32>
    %get3A_29 = arith.constant 32 : index
    %get3A_30 = tpu.vector_load %arg6[%get3A_29] {strides = array<i32>} : memref<144xf32, #tpu.memory_space<vmem>>, vector<16xf32>,
    %get3A_31 = vector.shape_cast %get3A_30 : vector<16xf32> to vector<16xf32>
    %broadcast_in_dim3A_32 = arith.constant 2 : i32
    %broadcast_in_dim3A_33 = vector.broadcast %broadcast_in_dim3A_32 : i32 to vector<16xi32>
    %broadcast_in_dim3A_34 = vector.shape_cast %broadcast_in_dim3A_33 : vector<16xi32> to vector<16x1xi32>
    %gather3A_35 = vector.shape_cast %broadcast_in_dim3A_34 : vector<16x1xi32> to vector<16xi32>
    %gather3A_36 = tpu.dynamic_gather %get3A_5[%gather3A_35] in [0] : vector<16xf32>, vector<16xi32> -> vector<16xf32>
    %mul3A_37 = arith.mulf %get3A_31, %gather3A_36 : vector<16xf32>
    %add3A_38 = arith.addf %add3A_28, %mul3A_37 : vector<16xf32>
    %get3A_39 = arith.constant 48 : index
    %get3A_40 = tpu.vector_load %arg6[%get3A_39] {strides = array<i32>} : memref<144xf32, #tpu.memory_space<vmem>>, vector<16xf32>,
    %get3A_41 = vector.shape_cast %get3A_40 : vector<16xf32> to vector<16xf32>
    %broadcast_in_dim3A_42 = arith.constant 3 : i32
    %broadcast_in_dim3A_43 = vector.broadcast %broadcast_in_dim3A_42 : i32 to vector<16xi32>
    %broadcast_in_dim3A_44 = vector.shape_cast %broadcast_in_dim3A_43 : vector<16xi32> to vector<16x1xi32>
    %gather3A_45 = vector.shape_cast %broadcast_in_dim3A_44 : vector<16x1xi32> to vector<16xi32>
    %gather3A_46 = tpu.dynamic_gather %get3A_5[%gather3A_45] in [0] : vector<16xf32>, vector<16xi32> -> vector<16xf32>
    %mul3A_47 = arith.mulf %get3A_41, %gather3A_46 : vector<16xf32>
    %add3A_48 = arith.addf %add3A_38, %mul3A_47 : vector<16xf32>
    %get3A_49 = arith.constant 64 : index
    %get3A_50 = tpu.vector_load %arg6[%get3A_49] {strides = array<i32>} : memref<144xf32, #tpu.memory_space<vmem>>, vector<16xf32>,
    %get3A_51 = vector.shape_cast %get3A_50 : vector<16xf32> to vector<16xf32>
    %broadcast_in_dim3A_52 = arith.constant 4 : i32
    %broadcast_in_dim3A_53 = vector.broadcast %broadcast_in_dim3A_52 : i32 to vector<16xi32>
    %broadcast_in_dim3A_54 = vector.shape_cast %broadcast_in_dim3A_53 : vector<16xi32> to vector<16x1xi32>
    %gather3A_55 = vector.shape_cast %broadcast_in_dim3A_54 : vector<16x1xi32> to vector<16xi32>
    %gather3A_56 = tpu.dynamic_gather %get3A_5[%gather3A_55] in [0] : vector<16xf32>, vector<16xi32> -> vector<16xf32>
    %mul3A_57 = arith.mulf %get3A_51, %gather3A_56 : vector<16xf32>
    %add3A_58 = arith.addf %add3A_48, %mul3A_57 : vector<16xf32>
    %get3A_59 = arith.constant 80 : index
    %get3A_60 = tpu.vector_load %arg6[%get3A_59] {strides = array<i32>} : memref<144xf32, #tpu.memory_space<vmem>>, vector<16xf32>,
    %get3A_61 = vector.shape_cast %get3A_60 : vector<16xf32> to vector<16xf32>
    %broadcast_in_dim3A_62 = arith.constant 5 : i32
    %broadcast_in_dim3A_63 = vector.broadcast %broadcast_in_dim3A_62 : i32 to vector<16xi32>
    %broadcast_in_dim3A_64 = vector.shape_cast %broadcast_in_dim3A_63 : vector<16xi32> to vector<16x1xi32>
    %gather3A_65 = vector.shape_cast %broadcast_in_dim3A_64 : vector<16x1xi32> to vector<16xi32>
    %gather3A_66 = tpu.dynamic_gather %get3A_5[%gather3A_65] in [0] : vector<16xf32>, vector<16xi32> -> vector<16xf32>
    %mul3A_67 = arith.mulf %get3A_61, %gather3A_66 : vector<16xf32>
    %add3A_68 = arith.addf %add3A_58, %mul3A_67 : vector<16xf32>
    %get3A_69 = arith.constant 96 : index
    %get3A_70 = tpu.vector_load %arg6[%get3A_69] {strides = array<i32>} : memref<144xf32, #tpu.memory_space<vmem>>, vector<16xf32>,
    %get3A_71 = vector.shape_cast %get3A_70 : vector<16xf32> to vector<16xf32>
    %broadcast_in_dim3A_72 = arith.constant 6 : i32
    %broadcast_in_dim3A_73 = vector.broadcast %broadcast_in_dim3A_72 : i32 to vector<16xi32>
    %broadcast_in_dim3A_74 = vector.shape_cast %broadcast_in_dim3A_73 : vector<16xi32> to vector<16x1xi32>
    %gather3A_75 = vector.shape_cast %broadcast_in_dim3A_74 : vector<16x1xi32> to vector<16xi32>
    %gather3A_76 = tpu.dynamic_gather %get3A_5[%gather3A_75] in [0] : vector<16xf32>, vector<16xi32> -> vector<16xf32>
    %mul3A_77 = arith.mulf %get3A_71, %gather3A_76 : vector<16xf32>
    %add3A_78 = arith.addf %add3A_68, %mul3A_77 : vector<16xf32>
    %get3A_79 = arith.constant 112 : index
    %get3A_80 = tpu.vector_load %arg6[%get3A_79] {strides = array<i32>} : memref<144xf32, #tpu.memory_space<vmem>>, vector<16xf32>,
    %get3A_81 = vector.shape_cast %get3A_80 : vector<16xf32> to vector<16xf32>
    %broadcast_in_dim3A_82 = arith.constant 7 : i32
    %broadcast_in_dim3A_83 = vector.broadcast %broadcast_in_dim3A_82 : i32 to vector<16xi32>
    %broadcast_in_dim3A_84 = vector.shape_cast %broadcast_in_dim3A_83 : vector<16xi32> to vector<16x1xi32>
    %gather3A_85 = vector.shape_cast %broadcast_in_dim3A_84 : vector<16x1xi32> to vector<16xi32>
    %gather3A_86 = tpu.dynamic_gather %get3A_5[%gather3A_85] in [0] : vector<16xf32>, vector<16xi32> -> vector<16xf32>
    %mul3A_87 = arith.mulf %get3A_81, %gather3A_86 : vector<16xf32>
    %add3A_88 = arith.addf %add3A_78, %mul3A_87 : vector<16xf32>
    %neg3A = arith.constant 0.000000e+00 : f32
    %neg3A_89 = vector.broadcast %neg3A : f32 to vector<16xf32>
    %neg3A_90 = arith.subf %neg3A_89, %add3A_88 : vector<16xf32>
    %exp3A = math.exp %neg3A_90 : vector<16xf32>
    %add3A_91 = arith.constant 1.000000e+00 : f32
    %add3A_92 = vector.broadcast %add3A_91 : f32 to vector<16xf32>
    %add3A_93 = arith.addf %add3A_92, %exp3A : vector<16xf32>
    %div3A = arith.constant 1.000000e+00 : f32
    %div3A_94 = vector.broadcast %div3A : f32 to vector<16xf32>
    %div3A_95 = arith.divf %div3A_94, %add3A_93 : vector<16xf32>
    %dma_wait3A = tpu.memref_slice %arg2[%mul3A_2] : memref<16384xi32, #tpu.memory_space<hbm>> -> memref<512xi32, #tpu.memory_space<hbm>>
    %dma_wait3A_96 = tpu.memref_slice %arg2[%mul3A_2] : memref<16384xi32, #tpu.memory_space<hbm>> -> memref<512xi32, #tpu.memory_space<hbm>>
    tpu.wait_dma2 semaphore(%arg8 : memref<!tpu.dma_semaphore, #tpu.memory_space<semaphore_mem>>) src(%dma_wait3A_96 : memref<512xi32, #tpu.memory_space<hbm>>) dst(%arg5 : memref<512xi32, #tpu.memory_space<vmem>>)
    %get3A_97 = arith.constant 0 : index
    %get3A_98 = tpu.vector_load %arg5[%get3A_97] {strides = array<i32>} : memref<512xi32, #tpu.memory_space<vmem>>, vector<16xi32>,
    %get3A_99 = vector.shape_cast %get3A_98 : vector<16xi32> to vector<16xi32>
    %ge3A = arith.constant 1 : i32
    %ge3A_100 = vector.broadcast %ge3A : i32 to vector<16xi32>
    %ge3A_101 = arith.cmpi sge, %get3A_99, %ge3A_100 : vector<16xi32>
    %le3A = arith.constant 10 : i32
    %le3A_102 = vector.broadcast %le3A : i32 to vector<16xi32>
    %le3A_103 = arith.cmpi sle, %get3A_99, %le3A_102 : vector<16xi32>
    %and3A = arith.andi %ge3A_101, %le3A_103 : vector<16xi1>
    %jit3A = arith.constant 0 : i32
    %broadcast_in_dim3A_104 = vector.broadcast %jit3A : i32 to vector<16xi32>
    %select_n3A = arith.select %and3A, %get3A_99, %broadcast_in_dim3A_104 : vector<16xi1>, vector<16xi32>
    %broadcast_in_dim3A_105 = vector.shape_cast %select_n3A : vector<16xi32> to vector<16x1xi32>
    %gather3A_106 = vector.shape_cast %broadcast_in_dim3A_105 : vector<16x1xi32> to vector<16xi32>
    %gather3A_107 = tpu.dynamic_gather %div3A_95[%gather3A_106] in [0] : vector<16xf32>, vector<16xi32> -> vector<16xf32>
    %swap3A = arith.constant 0 : index
    %swap3A_108 = tpu.vector_load %arg7[%swap3A] {strides = array<i32>} : memref<512xf32, #tpu.memory_space<vmem>>, vector<16xf32>,
    %swap3A_109 = vector.shape_cast %swap3A_108 : vector<16xf32> to vector<16xf32>
    %swap3A_110 = vector.shape_cast %gather3A_107 : vector<16xf32> to vector<16xf32>
    tpu.vector_store %arg7[%swap3A], %swap3A_110 {strides = array<i32>} : memref<512xf32, #tpu.memory_space<vmem>>, vector<16xf32>,
    %get3A_111 = arith.constant 16 : index
    %get3A_112 = tpu.vector_load %arg5[%get3A_111] {strides = array<i32>} : memref<512xi32, #tpu.memory_space<vmem>>, vector<16xi32>,
    %get3A_113 = vector.shape_cast %get3A_112 : vector<16xi32> to vector<16xi32>
    %ge3A_114 = arith.constant 1 : i32
    %ge3A_115 = vector.broadcast %ge3A_114 : i32 to vector<16xi32>
    %ge3A_116 = arith.cmpi sge, %get3A_113, %ge3A_115 : vector<16xi32>
    %le3A_117 = arith.constant 10 : i32
    %le3A_118 = vector.broadcast %le3A_117 : i32 to vector<16xi32>
    %le3A_119 = arith.cmpi sle, %get3A_113, %le3A_118 : vector<16xi32>
    %and3A_120 = arith.andi %ge3A_116, %le3A_119 : vector<16xi1>
    %jit3A_121 = arith.constant 0 : i32
    %broadcast_in_dim3A_122 = vector.broadcast %jit3A_121 : i32 to vector<16xi32>
    %select_n3A_123 = arith.select %and3A_120, %get3A_113, %broadcast_in_dim3A_122 : vector<16xi1>, vector<16xi32>
    %broadcast_in_dim3A_124 = vector.shape_cast %select_n3A_123 : vector<16xi32> to vector<16x1xi32>
    %gather3A_125 = vector.shape_cast %broadcast_in_dim3A_124 : vector<16x1xi32> to vector<16xi32>
    %gather3A_126 = tpu.dynamic_gather %div3A_95[%gather3A_125] in [0] : vector<16xf32>, vector<16xi32> -> vector<16xf32>
    %swap3A_127 = arith.constant 16 : index
    %swap3A_128 = tpu.vector_load %arg7[%swap3A_127] {strides = array<i32>} : memref<512xf32, #tpu.memory_space<vmem>>, vector<16xf32>,
    %swap3A_129 = vector.shape_cast %swap3A_128 : vector<16xf32> to vector<16xf32>
    %swap3A_130 = vector.shape_cast %gather3A_126 : vector<16xf32> to vector<16xf32>
    tpu.vector_store %arg7[%swap3A_127], %swap3A_130 {strides = array<i32>} : memref<512xf32, #tpu.memory_space<vmem>>, vector<16xf32>,
    %get3A_131 = arith.constant 32 : index
    %get3A_132 = tpu.vector_load %arg5[%get3A_131] {strides = array<i32>} : memref<512xi32, #tpu.memory_space<vmem>>, vector<16xi32>,
    %get3A_133 = vector.shape_cast %get3A_132 : vector<16xi32> to vector<16xi32>
    %ge3A_134 = arith.constant 1 : i32
    %ge3A_135 = vector.broadcast %ge3A_134 : i32 to vector<16xi32>
    %ge3A_136 = arith.cmpi sge, %get3A_133, %ge3A_135 : vector<16xi32>
    %le3A_137 = arith.constant 10 : i32
    %le3A_138 = vector.broadcast %le3A_137 : i32 to vector<16xi32>
    %le3A_139 = arith.cmpi sle, %get3A_133, %le3A_138 : vector<16xi32>
    %and3A_140 = arith.andi %ge3A_136, %le3A_139 : vector<16xi1>
    %jit3A_141 = arith.constant 0 : i32
    %broadcast_in_dim3A_142 = vector.broadcast %jit3A_141 : i32 to vector<16xi32>
    %select_n3A_143 = arith.select %and3A_140, %get3A_133, %broadcast_in_dim3A_142 : vector<16xi1>, vector<16xi32>
    %broadcast_in_dim3A_144 = vector.shape_cast %select_n3A_143 : vector<16xi32> to vector<16x1xi32>
    %gather3A_145 = vector.shape_cast %broadcast_in_dim3A_144 : vector<16x1xi32> to vector<16xi32>
    %gather3A_146 = tpu.dynamic_gather %div3A_95[%gather3A_145] in [0] : vector<16xf32>, vector<16xi32> -> vector<16xf32>
    %swap3A_147 = arith.constant 32 : index
    %swap3A_148 = tpu.vector_load %arg7[%swap3A_147] {strides = array<i32>} : memref<512xf32, #tpu.memory_space<vmem>>, vector<16xf32>,
    %swap3A_149 = vector.shape_cast %swap3A_148 : vector<16xf32> to vector<16xf32>
    %swap3A_150 = vector.shape_cast %gather3A_146 : vector<16xf32> to vector<16xf32>
    tpu.vector_store %arg7[%swap3A_147], %swap3A_150 {strides = array<i32>} : memref<512xf32, #tpu.memory_space<vmem>>, vector<16xf32>,
    %get3A_151 = arith.constant 48 : index
    %get3A_152 = tpu.vector_load %arg5[%get3A_151] {strides = array<i32>} : memref<512xi32, #tpu.memory_space<vmem>>, vector<16xi32>,
    %get3A_153 = vector.shape_cast %get3A_152 : vector<16xi32> to vector<16xi32>
    %ge3A_154 = arith.constant 1 : i32
    %ge3A_155 = vector.broadcast %ge3A_154 : i32 to vector<16xi32>
    %ge3A_156 = arith.cmpi sge, %get3A_153, %ge3A_155 : vector<16xi32>
    %le3A_157 = arith.constant 10 : i32
    %le3A_158 = vector.broadcast %le3A_157 : i32 to vector<16xi32>
    %le3A_159 = arith.cmpi sle, %get3A_153, %le3A_158 : vector<16xi32>
    %and3A_160 = arith.andi %ge3A_156, %le3A_159 : vector<16xi1>
    %jit3A_161 = arith.constant 0 : i32
    %broadcast_in_dim3A_162 = vector.broadcast %jit3A_161 : i32 to vector<16xi32>
    %select_n3A_163 = arith.select %and3A_160, %get3A_153, %broadcast_in_dim3A_162 : vector<16xi1>, vector<16xi32>
    %broadcast_in_dim3A_164 = vector.shape_cast %select_n3A_163 : vector<16xi32> to vector<16x1xi32>
    %gather3A_165 = vector.shape_cast %broadcast_in_dim3A_164 : vector<16x1xi32> to vector<16xi32>
    %gather3A_166 = tpu.dynamic_gather %div3A_95[%gather3A_165] in [0] : vector<16xf32>, vector<16xi32> -> vector<16xf32>
    %swap3A_167 = arith.constant 48 : index
    %swap3A_168 = tpu.vector_load %arg7[%swap3A_167] {strides = array<i32>} : memref<512xf32, #tpu.memory_space<vmem>>, vector<16xf32>,
    %swap3A_169 = vector.shape_cast %swap3A_168 : vector<16xf32> to vector<16xf32>
    %swap3A_170 = vector.shape_cast %gather3A_166 : vector<16xf32> to vector<16xf32>
    tpu.vector_store %arg7[%swap3A_167], %swap3A_170 {strides = array<i32>} : memref<512xf32, #tpu.memory_space<vmem>>, vector<16xf32>,
    %get3A_171 = arith.constant 64 : index
    %get3A_172 = tpu.vector_load %arg5[%get3A_171] {strides = array<i32>} : memref<512xi32, #tpu.memory_space<vmem>>, vector<16xi32>,
    %get3A_173 = vector.shape_cast %get3A_172 : vector<16xi32> to vector<16xi32>
    %ge3A_174 = arith.constant 1 : i32
    %ge3A_175 = vector.broadcast %ge3A_174 : i32 to vector<16xi32>
    %ge3A_176 = arith.cmpi sge, %get3A_173, %ge3A_175 : vector<16xi32>
    %le3A_177 = arith.constant 10 : i32
    %le3A_178 = vector.broadcast %le3A_177 : i32 to vector<16xi32>
    %le3A_179 = arith.cmpi sle, %get3A_173, %le3A_178 : vector<16xi32>
    %and3A_180 = arith.andi %ge3A_176, %le3A_179 : vector<16xi1>
    %jit3A_181 = arith.constant 0 : i32
    %broadcast_in_dim3A_182 = vector.broadcast %jit3A_181 : i32 to vector<16xi32>
    %select_n3A_183 = arith.select %and3A_180, %get3A_173, %broadcast_in_dim3A_182 : vector<16xi1>, vector<16xi32>
    %broadcast_in_dim3A_184 = vector.shape_cast %select_n3A_183 : vector<16xi32> to vector<16x1xi32>
    %gather3A_185 = vector.shape_cast %broadcast_in_dim3A_184 : vector<16x1xi32> to vector<16xi32>
    %gather3A_186 = tpu.dynamic_gather %div3A_95[%gather3A_185] in [0] : vector<16xf32>, vector<16xi32> -> vector<16xf32>
    %swap3A_187 = arith.constant 64 : index
    %swap3A_188 = tpu.vector_load %arg7[%swap3A_187] {strides = array<i32>} : memref<512xf32, #tpu.memory_space<vmem>>, vector<16xf32>,
    %swap3A_189 = vector.shape_cast %swap3A_188 : vector<16xf32> to vector<16xf32>
    %swap3A_190 = vector.shape_cast %gather3A_186 : vector<16xf32> to vector<16xf32>
    tpu.vector_store %arg7[%swap3A_187], %swap3A_190 {strides = array<i32>} : memref<512xf32, #tpu.memory_space<vmem>>, vector<16xf32>,
    %get3A_191 = arith.constant 80 : index
    %get3A_192 = tpu.vector_load %arg5[%get3A_191] {strides = array<i32>} : memref<512xi32, #tpu.memory_space<vmem>>, vector<16xi32>,
    %get3A_193 = vector.shape_cast %get3A_192 : vector<16xi32> to vector<16xi32>
    %ge3A_194 = arith.constant 1 : i32
    %ge3A_195 = vector.broadcast %ge3A_194 : i32 to vector<16xi32>
    %ge3A_196 = arith.cmpi sge, %get3A_193, %ge3A_195 : vector<16xi32>
    %le3A_197 = arith.constant 10 : i32
    %le3A_198 = vector.broadcast %le3A_197 : i32 to vector<16xi32>
    %le3A_199 = arith.cmpi sle, %get3A_193, %le3A_198 : vector<16xi32>
    %and3A_200 = arith.andi %ge3A_196, %le3A_199 : vector<16xi1>
    %jit3A_201 = arith.constant 0 : i32
    %broadcast_in_dim3A_202 = vector.broadcast %jit3A_201 : i32 to vector<16xi32>
    %select_n3A_203 = arith.select %and3A_200, %get3A_193, %broadcast_in_dim3A_202 : vector<16xi1>, vector<16xi32>
    %broadcast_in_dim3A_204 = vector.shape_cast %select_n3A_203 : vector<16xi32> to vector<16x1xi32>
    %gather3A_205 = vector.shape_cast %broadcast_in_dim3A_204 : vector<16x1xi32> to vector<16xi32>
    %gather3A_206 = tpu.dynamic_gather %div3A_95[%gather3A_205] in [0] : vector<16xf32>, vector<16xi32> -> vector<16xf32>
    %swap3A_207 = arith.constant 80 : index
    %swap3A_208 = tpu.vector_load %arg7[%swap3A_207] {strides = array<i32>} : memref<512xf32, #tpu.memory_space<vmem>>, vector<16xf32>,
    %swap3A_209 = vector.shape_cast %swap3A_208 : vector<16xf32> to vector<16xf32>
    %swap3A_210 = vector.shape_cast %gather3A_206 : vector<16xf32> to vector<16xf32>
    tpu.vector_store %arg7[%swap3A_207], %swap3A_210 {strides = array<i32>} : memref<512xf32, #tpu.memory_space<vmem>>, vector<16xf32>,
    %get3A_211 = arith.constant 96 : index
    %get3A_212 = tpu.vector_load %arg5[%get3A_211] {strides = array<i32>} : memref<512xi32, #tpu.memory_space<vmem>>, vector<16xi32>,
    %get3A_213 = vector.shape_cast %get3A_212 : vector<16xi32> to vector<16xi32>
    %ge3A_214 = arith.constant 1 : i32
    %ge3A_215 = vector.broadcast %ge3A_214 : i32 to vector<16xi32>
    %ge3A_216 = arith.cmpi sge, %get3A_213, %ge3A_215 : vector<16xi32>
    %le3A_217 = arith.constant 10 : i32
    %le3A_218 = vector.broadcast %le3A_217 : i32 to vector<16xi32>
    %le3A_219 = arith.cmpi sle, %get3A_213, %le3A_218 : vector<16xi32>
    %and3A_220 = arith.andi %ge3A_216, %le3A_219 : vector<16xi1>
    %jit3A_221 = arith.constant 0 : i32
    %broadcast_in_dim3A_222 = vector.broadcast %jit3A_221 : i32 to vector<16xi32>
    %select_n3A_223 = arith.select %and3A_220, %get3A_213, %broadcast_in_dim3A_222 : vector<16xi1>, vector<16xi32>
    %broadcast_in_dim3A_224 = vector.shape_cast %select_n3A_223 : vector<16xi32> to vector<16x1xi32>
    %gather3A_225 = vector.shape_cast %broadcast_in_dim3A_224 : vector<16x1xi32> to vector<16xi32>
    %gather3A_226 = tpu.dynamic_gather %div3A_95[%gather3A_225] in [0] : vector<16xf32>, vector<16xi32> -> vector<16xf32>
    %swap3A_227 = arith.constant 96 : index
    %swap3A_228 = tpu.vector_load %arg7[%swap3A_227] {strides = array<i32>} : memref<512xf32, #tpu.memory_space<vmem>>, vector<16xf32>,
    %swap3A_229 = vector.shape_cast %swap3A_228 : vector<16xf32> to vector<16xf32>
    %swap3A_230 = vector.shape_cast %gather3A_226 : vector<16xf32> to vector<16xf32>
    tpu.vector_store %arg7[%swap3A_227], %swap3A_230 {strides = array<i32>} : memref<512xf32, #tpu.memory_space<vmem>>, vector<16xf32>,
    %get3A_231 = arith.constant 112 : index
    %get3A_232 = tpu.vector_load %arg5[%get3A_231] {strides = array<i32>} : memref<512xi32, #tpu.memory_space<vmem>>, vector<16xi32>,
    %get3A_233 = vector.shape_cast %get3A_232 : vector<16xi32> to vector<16xi32>
    %ge3A_234 = arith.constant 1 : i32
    %ge3A_235 = vector.broadcast %ge3A_234 : i32 to vector<16xi32>
    %ge3A_236 = arith.cmpi sge, %get3A_233, %ge3A_235 : vector<16xi32>
    %le3A_237 = arith.constant 10 : i32
    %le3A_238 = vector.broadcast %le3A_237 : i32 to vector<16xi32>
    %le3A_239 = arith.cmpi sle, %get3A_233, %le3A_238 : vector<16xi32>
    %and3A_240 = arith.andi %ge3A_236, %le3A_239 : vector<16xi1>
    %jit3A_241 = arith.constant 0 : i32
    %broadcast_in_dim3A_242 = vector.broadcast %jit3A_241 : i32 to vector<16xi32>
    %select_n3A_243 = arith.select %and3A_240, %get3A_233, %broadcast_in_dim3A_242 : vector<16xi1>, vector<16xi32>
    %broadcast_in_dim3A_244 = vector.shape_cast %select_n3A_243 : vector<16xi32> to vector<16x1xi32>
    %gather3A_245 = vector.shape_cast %broadcast_in_dim3A_244 : vector<16x1xi32> to vector<16xi32>
    %gather3A_246 = tpu.dynamic_gather %div3A_95[%gather3A_245] in [0] : vector<16xf32>, vector<16xi32> -> vector<16xf32>
    %swap3A_247 = arith.constant 112 : index
    %swap3A_248 = tpu.vector_load %arg7[%swap3A_247] {strides = array<i32>} : memref<512xf32, #tpu.memory_space<vmem>>, vector<16xf32>,
    %swap3A_249 = vector.shape_cast %swap3A_248 : vector<16xf32> to vector<16xf32>
    %swap3A_250 = vector.shape_cast %gather3A_246 : vector<16xf32> to vector<16xf32>
    tpu.vector_store %arg7[%swap3A_247], %swap3A_250 {strides = array<i32>} : memref<512xf32, #tpu.memory_space<vmem>>, vector<16xf32>,
    %get3A_251 = arith.constant 128 : index
    %get3A_252 = tpu.vector_load %arg5[%get3A_251] {strides = array<i32>} : memref<512xi32, #tpu.memory_space<vmem>>, vector<16xi32>,
    %get3A_253 = vector.shape_cast %get3A_252 : vector<16xi32> to vector<16xi32>
    %ge3A_254 = arith.constant 1 : i32
    %ge3A_255 = vector.broadcast %ge3A_254 : i32 to vector<16xi32>
    %ge3A_256 = arith.cmpi sge, %get3A_253, %ge3A_255 : vector<16xi32>
    %le3A_257 = arith.constant 10 : i32
    %le3A_258 = vector.broadcast %le3A_257 : i32 to vector<16xi32>
    %le3A_259 = arith.cmpi sle, %get3A_253, %le3A_258 : vector<16xi32>
    %and3A_260 = arith.andi %ge3A_256, %le3A_259 : vector<16xi1>
    %jit3A_261 = arith.constant 0 : i32
    %broadcast_in_dim3A_262 = vector.broadcast %jit3A_261 : i32 to vector<16xi32>
    %select_n3A_263 = arith.select %and3A_260, %get3A_253, %broadcast_in_dim3A_262 : vector<16xi1>, vector<16xi32>
    %broadcast_in_dim3A_264 = vector.shape_cast %select_n3A_263 : vector<16xi32> to vector<16x1xi32>
    %gather3A_265 = vector.shape_cast %broadcast_in_dim3A_264 : vector<16x1xi32> to vector<16xi32>
    %gather3A_266 = tpu.dynamic_gather %div3A_95[%gather3A_265] in [0] : vector<16xf32>, vector<16xi32> -> vector<16xf32>
    %swap3A_267 = arith.constant 128 : index
    %swap3A_268 = tpu.vector_load %arg7[%swap3A_267] {strides = array<i32>} : memref<512xf32, #tpu.memory_space<vmem>>, vector<16xf32>,
    %swap3A_269 = vector.shape_cast %swap3A_268 : vector<16xf32> to vector<16xf32>
    %swap3A_270 = vector.shape_cast %gather3A_266 : vector<16xf32> to vector<16xf32>
    tpu.vector_store %arg7[%swap3A_267], %swap3A_270 {strides = array<i32>} : memref<512xf32, #tpu.memory_space<vmem>>, vector<16xf32>,
    %get3A_271 = arith.constant 144 : index
    %get3A_272 = tpu.vector_load %arg5[%get3A_271] {strides = array<i32>} : memref<512xi32, #tpu.memory_space<vmem>>, vector<16xi32>,
    %get3A_273 = vector.shape_cast %get3A_272 : vector<16xi32> to vector<16xi32>
    %ge3A_274 = arith.constant 1 : i32
    %ge3A_275 = vector.broadcast %ge3A_274 : i32 to vector<16xi32>
    %ge3A_276 = arith.cmpi sge, %get3A_273, %ge3A_275 : vector<16xi32>
    %le3A_277 = arith.constant 10 : i32
    %le3A_278 = vector.broadcast %le3A_277 : i32 to vector<16xi32>
    %le3A_279 = arith.cmpi sle, %get3A_273, %le3A_278 : vector<16xi32>
    %and3A_280 = arith.andi %ge3A_276, %le3A_279 : vector<16xi1>
    %jit3A_281 = arith.constant 0 : i32
    %broadcast_in_dim3A_282 = vector.broadcast %jit3A_281 : i32 to vector<16xi32>
    %select_n3A_283 = arith.select %and3A_280, %get3A_273, %broadcast_in_dim3A_282 : vector<16xi1>, vector<16xi32>
    %broadcast_in_dim3A_284 = vector.shape_cast %select_n3A_283 : vector<16xi32> to vector<16x1xi32>
    %gather3A_285 = vector.shape_cast %broadcast_in_dim3A_284 : vector<16x1xi32> to vector<16xi32>
    %gather3A_286 = tpu.dynamic_gather %div3A_95[%gather3A_285] in [0] : vector<16xf32>, vector<16xi32> -> vector<16xf32>
    %swap3A_287 = arith.constant 144 : index
    %swap3A_288 = tpu.vector_load %arg7[%swap3A_287] {strides = array<i32>} : memref<512xf32, #tpu.memory_space<vmem>>, vector<16xf32>,
    %swap3A_289 = vector.shape_cast %swap3A_288 : vector<16xf32> to vector<16xf32>
    %swap3A_290 = vector.shape_cast %gather3A_286 : vector<16xf32> to vector<16xf32>
    tpu.vector_store %arg7[%swap3A_287], %swap3A_290 {strides = array<i32>} : memref<512xf32, #tpu.memory_space<vmem>>, vector<16xf32>,
    %get3A_291 = arith.constant 160 : index
    %get3A_292 = tpu.vector_load %arg5[%get3A_291] {strides = array<i32>} : memref<512xi32, #tpu.memory_space<vmem>>, vector<16xi32>,
    %get3A_293 = vector.shape_cast %get3A_292 : vector<16xi32> to vector<16xi32>
    %ge3A_294 = arith.constant 1 : i32
    %ge3A_295 = vector.broadcast %ge3A_294 : i32 to vector<16xi32>
    %ge3A_296 = arith.cmpi sge, %get3A_293, %ge3A_295 : vector<16xi32>
    %le3A_297 = arith.constant 10 : i32
    %le3A_298 = vector.broadcast %le3A_297 : i32 to vector<16xi32>
    %le3A_299 = arith.cmpi sle, %get3A_293, %le3A_298 : vector<16xi32>
    %and3A_300 = arith.andi %ge3A_296, %le3A_299 : vector<16xi1>
    %jit3A_301 = arith.constant 0 : i32
    %broadcast_in_dim3A_302 = vector.broadcast %jit3A_301 : i32 to vector<16xi32>
    %select_n3A_303 = arith.select %and3A_300, %get3A_293, %broadcast_in_dim3A_302 : vector<16xi1>, vector<16xi32>
    %broadcast_in_dim3A_304 = vector.shape_cast %select_n3A_303 : vector<16xi32> to vector<16x1xi32>
    %gather3A_305 = vector.shape_cast %broadcast_in_dim3A_304 : vector<16x1xi32> to vector<16xi32>
    %gather3A_306 = tpu.dynamic_gather %div3A_95[%gather3A_305] in [0] : vector<16xf32>, vector<16xi32> -> vector<16xf32>
    %swap3A_307 = arith.constant 160 : index
    %swap3A_308 = tpu.vector_load %arg7[%swap3A_307] {strides = array<i32>} : memref<512xf32, #tpu.memory_space<vmem>>, vector<16xf32>,
    %swap3A_309 = vector.shape_cast %swap3A_308 : vector<16xf32> to vector<16xf32>
    %swap3A_310 = vector.shape_cast %gather3A_306 : vector<16xf32> to vector<16xf32>
    tpu.vector_store %arg7[%swap3A_307], %swap3A_310 {strides = array<i32>} : memref<512xf32, #tpu.memory_space<vmem>>, vector<16xf32>,
    %get3A_311 = arith.constant 176 : index
    %get3A_312 = tpu.vector_load %arg5[%get3A_311] {strides = array<i32>} : memref<512xi32, #tpu.memory_space<vmem>>, vector<16xi32>,
    %get3A_313 = vector.shape_cast %get3A_312 : vector<16xi32> to vector<16xi32>
    %ge3A_314 = arith.constant 1 : i32
    %ge3A_315 = vector.broadcast %ge3A_314 : i32 to vector<16xi32>
    %ge3A_316 = arith.cmpi sge, %get3A_313, %ge3A_315 : vector<16xi32>
    %le3A_317 = arith.constant 10 : i32
    %le3A_318 = vector.broadcast %le3A_317 : i32 to vector<16xi32>
    %le3A_319 = arith.cmpi sle, %get3A_313, %le3A_318 : vector<16xi32>
    %and3A_320 = arith.andi %ge3A_316, %le3A_319 : vector<16xi1>
    %jit3A_321 = arith.constant 0 : i32
    %broadcast_in_dim3A_322 = vector.broadcast %jit3A_321 : i32 to vector<16xi32>
    %select_n3A_323 = arith.select %and3A_320, %get3A_313, %broadcast_in_dim3A_322 : vector<16xi1>, vector<16xi32>
    %broadcast_in_dim3A_324 = vector.shape_cast %select_n3A_323 : vector<16xi32> to vector<16x1xi32>
    %gather3A_325 = vector.shape_cast %broadcast_in_dim3A_324 : vector<16x1xi32> to vector<16xi32>
    %gather3A_326 = tpu.dynamic_gather %div3A_95[%gather3A_325] in [0] : vector<16xf32>, vector<16xi32> -> vector<16xf32>
    %swap3A_327 = arith.constant 176 : index
    %swap3A_328 = tpu.vector_load %arg7[%swap3A_327] {strides = array<i32>} : memref<512xf32, #tpu.memory_space<vmem>>, vector<16xf32>,
    %swap3A_329 = vector.shape_cast %swap3A_328 : vector<16xf32> to vector<16xf32>
    %swap3A_330 = vector.shape_cast %gather3A_326 : vector<16xf32> to vector<16xf32>
    tpu.vector_store %arg7[%swap3A_327], %swap3A_330 {strides = array<i32>} : memref<512xf32, #tpu.memory_space<vmem>>, vector<16xf32>,
    %get3A_331 = arith.constant 192 : index
    %get3A_332 = tpu.vector_load %arg5[%get3A_331] {strides = array<i32>} : memref<512xi32, #tpu.memory_space<vmem>>, vector<16xi32>,
    %get3A_333 = vector.shape_cast %get3A_332 : vector<16xi32> to vector<16xi32>
    %ge3A_334 = arith.constant 1 : i32
    %ge3A_335 = vector.broadcast %ge3A_334 : i32 to vector<16xi32>
    %ge3A_336 = arith.cmpi sge, %get3A_333, %ge3A_335 : vector<16xi32>
    %le3A_337 = arith.constant 10 : i32
    %le3A_338 = vector.broadcast %le3A_337 : i32 to vector<16xi32>
    %le3A_339 = arith.cmpi sle, %get3A_333, %le3A_338 : vector<16xi32>
    %and3A_340 = arith.andi %ge3A_336, %le3A_339 : vector<16xi1>
    %jit3A_341 = arith.constant 0 : i32
    %broadcast_in_dim3A_342 = vector.broadcast %jit3A_341 : i32 to vector<16xi32>
    %select_n3A_343 = arith.select %and3A_340, %get3A_333, %broadcast_in_dim3A_342 : vector<16xi1>, vector<16xi32>
    %broadcast_in_dim3A_344 = vector.shape_cast %select_n3A_343 : vector<16xi32> to vector<16x1xi32>
    %gather3A_345 = vector.shape_cast %broadcast_in_dim3A_344 : vector<16x1xi32> to vector<16xi32>
    %gather3A_346 = tpu.dynamic_gather %div3A_95[%gather3A_345] in [0] : vector<16xf32>, vector<16xi32> -> vector<16xf32>
    %swap3A_347 = arith.constant 192 : index
    %swap3A_348 = tpu.vector_load %arg7[%swap3A_347] {strides = array<i32>} : memref<512xf32, #tpu.memory_space<vmem>>, vector<16xf32>,
    %swap3A_349 = vector.shape_cast %swap3A_348 : vector<16xf32> to vector<16xf32>
    %swap3A_350 = vector.shape_cast %gather3A_346 : vector<16xf32> to vector<16xf32>
    tpu.vector_store %arg7[%swap3A_347], %swap3A_350 {strides = array<i32>} : memref<512xf32, #tpu.memory_space<vmem>>, vector<16xf32>,
    %get3A_351 = arith.constant 208 : index
    %get3A_352 = tpu.vector_load %arg5[%get3A_351] {strides = array<i32>} : memref<512xi32, #tpu.memory_space<vmem>>, vector<16xi32>,
    %get3A_353 = vector.shape_cast %get3A_352 : vector<16xi32> to vector<16xi32>
    %ge3A_354 = arith.constant 1 : i32
    %ge3A_355 = vector.broadcast %ge3A_354 : i32 to vector<16xi32>
    %ge3A_356 = arith.cmpi sge, %get3A_353, %ge3A_355 : vector<16xi32>
    %le3A_357 = arith.constant 10 : i32
    %le3A_358 = vector.broadcast %le3A_357 : i32 to vector<16xi32>
    %le3A_359 = arith.cmpi sle, %get3A_353, %le3A_358 : vector<16xi32>
    %and3A_360 = arith.andi %ge3A_356, %le3A_359 : vector<16xi1>
    %jit3A_361 = arith.constant 0 : i32
    %broadcast_in_dim3A_362 = vector.broadcast %jit3A_361 : i32 to vector<16xi32>
    %select_n3A_363 = arith.select %and3A_360, %get3A_353, %broadcast_in_dim3A_362 : vector<16xi1>, vector<16xi32>
    %broadcast_in_dim3A_364 = vector.shape_cast %select_n3A_363 : vector<16xi32> to vector<16x1xi32>
    %gather3A_365 = vector.shape_cast %broadcast_in_dim3A_364 : vector<16x1xi32> to vector<16xi32>
    %gather3A_366 = tpu.dynamic_gather %div3A_95[%gather3A_365] in [0] : vector<16xf32>, vector<16xi32> -> vector<16xf32>
    %swap3A_367 = arith.constant 208 : index
    %swap3A_368 = tpu.vector_load %arg7[%swap3A_367] {strides = array<i32>} : memref<512xf32, #tpu.memory_space<vmem>>, vector<16xf32>,
    %swap3A_369 = vector.shape_cast %swap3A_368 : vector<16xf32> to vector<16xf32>
    %swap3A_370 = vector.shape_cast %gather3A_366 : vector<16xf32> to vector<16xf32>
    tpu.vector_store %arg7[%swap3A_367], %swap3A_370 {strides = array<i32>} : memref<512xf32, #tpu.memory_space<vmem>>, vector<16xf32>,
    %get3A_371 = arith.constant 224 : index
    %get3A_372 = tpu.vector_load %arg5[%get3A_371] {strides = array<i32>} : memref<512xi32, #tpu.memory_space<vmem>>, vector<16xi32>,
    %get3A_373 = vector.shape_cast %get3A_372 : vector<16xi32> to vector<16xi32>
    %ge3A_374 = arith.constant 1 : i32
    %ge3A_375 = vector.broadcast %ge3A_374 : i32 to vector<16xi32>
    %ge3A_376 = arith.cmpi sge, %get3A_373, %ge3A_375 : vector<16xi32>
    %le3A_377 = arith.constant 10 : i32
    %le3A_378 = vector.broadcast %le3A_377 : i32 to vector<16xi32>
    %le3A_379 = arith.cmpi sle, %get3A_373, %le3A_378 : vector<16xi32>
    %and3A_380 = arith.andi %ge3A_376, %le3A_379 : vector<16xi1>
    %jit3A_381 = arith.constant 0 : i32
    %broadcast_in_dim3A_382 = vector.broadcast %jit3A_381 : i32 to vector<16xi32>
    %select_n3A_383 = arith.select %and3A_380, %get3A_373, %broadcast_in_dim3A_382 : vector<16xi1>, vector<16xi32>
    %broadcast_in_dim3A_384 = vector.shape_cast %select_n3A_383 : vector<16xi32> to vector<16x1xi32>
    %gather3A_385 = vector.shape_cast %broadcast_in_dim3A_384 : vector<16x1xi32> to vector<16xi32>
    %gather3A_386 = tpu.dynamic_gather %div3A_95[%gather3A_385] in [0] : vector<16xf32>, vector<16xi32> -> vector<16xf32>
    %swap3A_387 = arith.constant 224 : index
    %swap3A_388 = tpu.vector_load %arg7[%swap3A_387] {strides = array<i32>} : memref<512xf32, #tpu.memory_space<vmem>>, vector<16xf32>,
    %swap3A_389 = vector.shape_cast %swap3A_388 : vector<16xf32> to vector<16xf32>
    %swap3A_390 = vector.shape_cast %gather3A_386 : vector<16xf32> to vector<16xf32>
    tpu.vector_store %arg7[%swap3A_387], %swap3A_390 {strides = array<i32>} : memref<512xf32, #tpu.memory_space<vmem>>, vector<16xf32>,
    %get3A_391 = arith.constant 240 : index
    %get3A_392 = tpu.vector_load %arg5[%get3A_391] {strides = array<i32>} : memref<512xi32, #tpu.memory_space<vmem>>, vector<16xi32>,
    %get3A_393 = vector.shape_cast %get3A_392 : vector<16xi32> to vector<16xi32>
    %ge3A_394 = arith.constant 1 : i32
    %ge3A_395 = vector.broadcast %ge3A_394 : i32 to vector<16xi32>
    %ge3A_396 = arith.cmpi sge, %get3A_393, %ge3A_395 : vector<16xi32>
    %le3A_397 = arith.constant 10 : i32
    %le3A_398 = vector.broadcast %le3A_397 : i32 to vector<16xi32>
    %le3A_399 = arith.cmpi sle, %get3A_393, %le3A_398 : vector<16xi32>
    %and3A_400 = arith.andi %ge3A_396, %le3A_399 : vector<16xi1>
    %jit3A_401 = arith.constant 0 : i32
    %broadcast_in_dim3A_402 = vector.broadcast %jit3A_401 : i32 to vector<16xi32>
    %select_n3A_403 = arith.select %and3A_400, %get3A_393, %broadcast_in_dim3A_402 : vector<16xi1>, vector<16xi32>
    %broadcast_in_dim3A_404 = vector.shape_cast %select_n3A_403 : vector<16xi32> to vector<16x1xi32>
    %gather3A_405 = vector.shape_cast %broadcast_in_dim3A_404 : vector<16x1xi32> to vector<16xi32>
    %gather3A_406 = tpu.dynamic_gather %div3A_95[%gather3A_405] in [0] : vector<16xf32>, vector<16xi32> -> vector<16xf32>
    %swap3A_407 = arith.constant 240 : index
    %swap3A_408 = tpu.vector_load %arg7[%swap3A_407] {strides = array<i32>} : memref<512xf32, #tpu.memory_space<vmem>>, vector<16xf32>,
    %swap3A_409 = vector.shape_cast %swap3A_408 : vector<16xf32> to vector<16xf32>
    %swap3A_410 = vector.shape_cast %gather3A_406 : vector<16xf32> to vector<16xf32>
    tpu.vector_store %arg7[%swap3A_407], %swap3A_410 {strides = array<i32>} : memref<512xf32, #tpu.memory_space<vmem>>, vector<16xf32>,
    %get3A_411 = arith.constant 256 : index
    %get3A_412 = tpu.vector_load %arg5[%get3A_411] {strides = array<i32>} : memref<512xi32, #tpu.memory_space<vmem>>, vector<16xi32>,
    %get3A_413 = vector.shape_cast %get3A_412 : vector<16xi32> to vector<16xi32>
    %ge3A_414 = arith.constant 1 : i32
    %ge3A_415 = vector.broadcast %ge3A_414 : i32 to vector<16xi32>
    %ge3A_416 = arith.cmpi sge, %get3A_413, %ge3A_415 : vector<16xi32>
    %le3A_417 = arith.constant 10 : i32
    %le3A_418 = vector.broadcast %le3A_417 : i32 to vector<16xi32>
    %le3A_419 = arith.cmpi sle, %get3A_413, %le3A_418 : vector<16xi32>
    %and3A_420 = arith.andi %ge3A_416, %le3A_419 : vector<16xi1>
    %jit3A_421 = arith.constant 0 : i32
    %broadcast_in_dim3A_422 = vector.broadcast %jit3A_421 : i32 to vector<16xi32>
    %select_n3A_423 = arith.select %and3A_420, %get3A_413, %broadcast_in_dim3A_422 : vector<16xi1>, vector<16xi32>
    %broadcast_in_dim3A_424 = vector.shape_cast %select_n3A_423 : vector<16xi32> to vector<16x1xi32>
    %gather3A_425 = vector.shape_cast %broadcast_in_dim3A_424 : vector<16x1xi32> to vector<16xi32>
    %gather3A_426 = tpu.dynamic_gather %div3A_95[%gather3A_425] in [0] : vector<16xf32>, vector<16xi32> -> vector<16xf32>
    %swap3A_427 = arith.constant 256 : index
    %swap3A_428 = tpu.vector_load %arg7[%swap3A_427] {strides = array<i32>} : memref<512xf32, #tpu.memory_space<vmem>>, vector<16xf32>,
    %swap3A_429 = vector.shape_cast %swap3A_428 : vector<16xf32> to vector<16xf32>
    %swap3A_430 = vector.shape_cast %gather3A_426 : vector<16xf32> to vector<16xf32>
    tpu.vector_store %arg7[%swap3A_427], %swap3A_430 {strides = array<i32>} : memref<512xf32, #tpu.memory_space<vmem>>, vector<16xf32>,
    %get3A_431 = arith.constant 272 : index
    %get3A_432 = tpu.vector_load %arg5[%get3A_431] {strides = array<i32>} : memref<512xi32, #tpu.memory_space<vmem>>, vector<16xi32>,
    %get3A_433 = vector.shape_cast %get3A_432 : vector<16xi32> to vector<16xi32>
    %ge3A_434 = arith.constant 1 : i32
    %ge3A_435 = vector.broadcast %ge3A_434 : i32 to vector<16xi32>
    %ge3A_436 = arith.cmpi sge, %get3A_433, %ge3A_435 : vector<16xi32>
    %le3A_437 = arith.constant 10 : i32
    %le3A_438 = vector.broadcast %le3A_437 : i32 to vector<16xi32>
    %le3A_439 = arith.cmpi sle, %get3A_433, %le3A_438 : vector<16xi32>
    %and3A_440 = arith.andi %ge3A_436, %le3A_439 : vector<16xi1>
    %jit3A_441 = arith.constant 0 : i32
    %broadcast_in_dim3A_442 = vector.broadcast %jit3A_441 : i32 to vector<16xi32>
    %select_n3A_443 = arith.select %and3A_440, %get3A_433, %broadcast_in_dim3A_442 : vector<16xi1>, vector<16xi32>
    %broadcast_in_dim3A_444 = vector.shape_cast %select_n3A_443 : vector<16xi32> to vector<16x1xi32>
    %gather3A_445 = vector.shape_cast %broadcast_in_dim3A_444 : vector<16x1xi32> to vector<16xi32>
    %gather3A_446 = tpu.dynamic_gather %div3A_95[%gather3A_445] in [0] : vector<16xf32>, vector<16xi32> -> vector<16xf32>
    %swap3A_447 = arith.constant 272 : index
    %swap3A_448 = tpu.vector_load %arg7[%swap3A_447] {strides = array<i32>} : memref<512xf32, #tpu.memory_space<vmem>>, vector<16xf32>,
    %swap3A_449 = vector.shape_cast %swap3A_448 : vector<16xf32> to vector<16xf32>
    %swap3A_450 = vector.shape_cast %gather3A_446 : vector<16xf32> to vector<16xf32>
    tpu.vector_store %arg7[%swap3A_447], %swap3A_450 {strides = array<i32>} : memref<512xf32, #tpu.memory_space<vmem>>, vector<16xf32>,
    %get3A_451 = arith.constant 288 : index
    %get3A_452 = tpu.vector_load %arg5[%get3A_451] {strides = array<i32>} : memref<512xi32, #tpu.memory_space<vmem>>, vector<16xi32>,
    %get3A_453 = vector.shape_cast %get3A_452 : vector<16xi32> to vector<16xi32>
    %ge3A_454 = arith.constant 1 : i32
    %ge3A_455 = vector.broadcast %ge3A_454 : i32 to vector<16xi32>
    %ge3A_456 = arith.cmpi sge, %get3A_453, %ge3A_455 : vector<16xi32>
    %le3A_457 = arith.constant 10 : i32
    %le3A_458 = vector.broadcast %le3A_457 : i32 to vector<16xi32>
    %le3A_459 = arith.cmpi sle, %get3A_453, %le3A_458 : vector<16xi32>
    %and3A_460 = arith.andi %ge3A_456, %le3A_459 : vector<16xi1>
    %jit3A_461 = arith.constant 0 : i32
    %broadcast_in_dim3A_462 = vector.broadcast %jit3A_461 : i32 to vector<16xi32>
    %select_n3A_463 = arith.select %and3A_460, %get3A_453, %broadcast_in_dim3A_462 : vector<16xi1>, vector<16xi32>
    %broadcast_in_dim3A_464 = vector.shape_cast %select_n3A_463 : vector<16xi32> to vector<16x1xi32>
    %gather3A_465 = vector.shape_cast %broadcast_in_dim3A_464 : vector<16x1xi32> to vector<16xi32>
    %gather3A_466 = tpu.dynamic_gather %div3A_95[%gather3A_465] in [0] : vector<16xf32>, vector<16xi32> -> vector<16xf32>
    %swap3A_467 = arith.constant 288 : index
    %swap3A_468 = tpu.vector_load %arg7[%swap3A_467] {strides = array<i32>} : memref<512xf32, #tpu.memory_space<vmem>>, vector<16xf32>,
    %swap3A_469 = vector.shape_cast %swap3A_468 : vector<16xf32> to vector<16xf32>
    %swap3A_470 = vector.shape_cast %gather3A_466 : vector<16xf32> to vector<16xf32>
    tpu.vector_store %arg7[%swap3A_467], %swap3A_470 {strides = array<i32>} : memref<512xf32, #tpu.memory_space<vmem>>, vector<16xf32>,
    %get3A_471 = arith.constant 304 : index
    %get3A_472 = tpu.vector_load %arg5[%get3A_471] {strides = array<i32>} : memref<512xi32, #tpu.memory_space<vmem>>, vector<16xi32>,
    %get3A_473 = vector.shape_cast %get3A_472 : vector<16xi32> to vector<16xi32>
    %ge3A_474 = arith.constant 1 : i32
    %ge3A_475 = vector.broadcast %ge3A_474 : i32 to vector<16xi32>
    %ge3A_476 = arith.cmpi sge, %get3A_473, %ge3A_475 : vector<16xi32>
    %le3A_477 = arith.constant 10 : i32
    %le3A_478 = vector.broadcast %le3A_477 : i32 to vector<16xi32>
    %le3A_479 = arith.cmpi sle, %get3A_473, %le3A_478 : vector<16xi32>
    %and3A_480 = arith.andi %ge3A_476, %le3A_479 : vector<16xi1>
    %jit3A_481 = arith.constant 0 : i32
    %broadcast_in_dim3A_482 = vector.broadcast %jit3A_481 : i32 to vector<16xi32>
    %select_n3A_483 = arith.select %and3A_480, %get3A_473, %broadcast_in_dim3A_482 : vector<16xi1>, vector<16xi32>
    %broadcast_in_dim3A_484 = vector.shape_cast %select_n3A_483 : vector<16xi32> to vector<16x1xi32>
    %gather3A_485 = vector.shape_cast %broadcast_in_dim3A_484 : vector<16x1xi32> to vector<16xi32>
    %gather3A_486 = tpu.dynamic_gather %div3A_95[%gather3A_485] in [0] : vector<16xf32>, vector<16xi32> -> vector<16xf32>
    %swap3A_487 = arith.constant 304 : index
    %swap3A_488 = tpu.vector_load %arg7[%swap3A_487] {strides = array<i32>} : memref<512xf32, #tpu.memory_space<vmem>>, vector<16xf32>,
    %swap3A_489 = vector.shape_cast %swap3A_488 : vector<16xf32> to vector<16xf32>
    %swap3A_490 = vector.shape_cast %gather3A_486 : vector<16xf32> to vector<16xf32>
    tpu.vector_store %arg7[%swap3A_487], %swap3A_490 {strides = array<i32>} : memref<512xf32, #tpu.memory_space<vmem>>, vector<16xf32>,
    %get3A_491 = arith.constant 320 : index
    %get3A_492 = tpu.vector_load %arg5[%get3A_491] {strides = array<i32>} : memref<512xi32, #tpu.memory_space<vmem>>, vector<16xi32>,
    %get3A_493 = vector.shape_cast %get3A_492 : vector<16xi32> to vector<16xi32>
    %ge3A_494 = arith.constant 1 : i32
    %ge3A_495 = vector.broadcast %ge3A_494 : i32 to vector<16xi32>
    %ge3A_496 = arith.cmpi sge, %get3A_493, %ge3A_495 : vector<16xi32>
    %le3A_497 = arith.constant 10 : i32
    %le3A_498 = vector.broadcast %le3A_497 : i32 to vector<16xi32>
    %le3A_499 = arith.cmpi sle, %get3A_493, %le3A_498 : vector<16xi32>
    %and3A_500 = arith.andi %ge3A_496, %le3A_499 : vector<16xi1>
    %jit3A_501 = arith.constant 0 : i32
    %broadcast_in_dim3A_502 = vector.broadcast %jit3A_501 : i32 to vector<16xi32>
    %select_n3A_503 = arith.select %and3A_500, %get3A_493, %broadcast_in_dim3A_502 : vector<16xi1>, vector<16xi32>
    %broadcast_in_dim3A_504 = vector.shape_cast %select_n3A_503 : vector<16xi32> to vector<16x1xi32>
    %gather3A_505 = vector.shape_cast %broadcast_in_dim3A_504 : vector<16x1xi32> to vector<16xi32>
    %gather3A_506 = tpu.dynamic_gather %div3A_95[%gather3A_505] in [0] : vector<16xf32>, vector<16xi32> -> vector<16xf32>
    %swap3A_507 = arith.constant 320 : index
    %swap3A_508 = tpu.vector_load %arg7[%swap3A_507] {strides = array<i32>} : memref<512xf32, #tpu.memory_space<vmem>>, vector<16xf32>,
    %swap3A_509 = vector.shape_cast %swap3A_508 : vector<16xf32> to vector<16xf32>
    %swap3A_510 = vector.shape_cast %gather3A_506 : vector<16xf32> to vector<16xf32>
    tpu.vector_store %arg7[%swap3A_507], %swap3A_510 {strides = array<i32>} : memref<512xf32, #tpu.memory_space<vmem>>, vector<16xf32>,
    %get3A_511 = arith.constant 336 : index
    %get3A_512 = tpu.vector_load %arg5[%get3A_511] {strides = array<i32>} : memref<512xi32, #tpu.memory_space<vmem>>, vector<16xi32>,
    %get3A_513 = vector.shape_cast %get3A_512 : vector<16xi32> to vector<16xi32>
    %ge3A_514 = arith.constant 1 : i32
    %ge3A_515 = vector.broadcast %ge3A_514 : i32 to vector<16xi32>
    %ge3A_516 = arith.cmpi sge, %get3A_513, %ge3A_515 : vector<16xi32>
    %le3A_517 = arith.constant 10 : i32
    %le3A_518 = vector.broadcast %le3A_517 : i32 to vector<16xi32>
    %le3A_519 = arith.cmpi sle, %get3A_513, %le3A_518 : vector<16xi32>
    %and3A_520 = arith.andi %ge3A_516, %le3A_519 : vector<16xi1>
    %jit3A_521 = arith.constant 0 : i32
    %broadcast_in_dim3A_522 = vector.broadcast %jit3A_521 : i32 to vector<16xi32>
    %select_n3A_523 = arith.select %and3A_520, %get3A_513, %broadcast_in_dim3A_522 : vector<16xi1>, vector<16xi32>
    %broadcast_in_dim3A_524 = vector.shape_cast %select_n3A_523 : vector<16xi32> to vector<16x1xi32>
    %gather3A_525 = vector.shape_cast %broadcast_in_dim3A_524 : vector<16x1xi32> to vector<16xi32>
    %gather3A_526 = tpu.dynamic_gather %div3A_95[%gather3A_525] in [0] : vector<16xf32>, vector<16xi32> -> vector<16xf32>
    %swap3A_527 = arith.constant 336 : index
    %swap3A_528 = tpu.vector_load %arg7[%swap3A_527] {strides = array<i32>} : memref<512xf32, #tpu.memory_space<vmem>>, vector<16xf32>,
    %swap3A_529 = vector.shape_cast %swap3A_528 : vector<16xf32> to vector<16xf32>
    %swap3A_530 = vector.shape_cast %gather3A_526 : vector<16xf32> to vector<16xf32>
    tpu.vector_store %arg7[%swap3A_527], %swap3A_530 {strides = array<i32>} : memref<512xf32, #tpu.memory_space<vmem>>, vector<16xf32>,
    %get3A_531 = arith.constant 352 : index
    %get3A_532 = tpu.vector_load %arg5[%get3A_531] {strides = array<i32>} : memref<512xi32, #tpu.memory_space<vmem>>, vector<16xi32>,
    %get3A_533 = vector.shape_cast %get3A_532 : vector<16xi32> to vector<16xi32>
    %ge3A_534 = arith.constant 1 : i32
    %ge3A_535 = vector.broadcast %ge3A_534 : i32 to vector<16xi32>
    %ge3A_536 = arith.cmpi sge, %get3A_533, %ge3A_535 : vector<16xi32>
    %le3A_537 = arith.constant 10 : i32
    %le3A_538 = vector.broadcast %le3A_537 : i32 to vector<16xi32>
    %le3A_539 = arith.cmpi sle, %get3A_533, %le3A_538 : vector<16xi32>
    %and3A_540 = arith.andi %ge3A_536, %le3A_539 : vector<16xi1>
    %jit3A_541 = arith.constant 0 : i32
    %broadcast_in_dim3A_542 = vector.broadcast %jit3A_541 : i32 to vector<16xi32>
    %select_n3A_543 = arith.select %and3A_540, %get3A_533, %broadcast_in_dim3A_542 : vector<16xi1>, vector<16xi32>
    %broadcast_in_dim3A_544 = vector.shape_cast %select_n3A_543 : vector<16xi32> to vector<16x1xi32>
    %gather3A_545 = vector.shape_cast %broadcast_in_dim3A_544 : vector<16x1xi32> to vector<16xi32>
    %gather3A_546 = tpu.dynamic_gather %div3A_95[%gather3A_545] in [0] : vector<16xf32>, vector<16xi32> -> vector<16xf32>
    %swap3A_547 = arith.constant 352 : index
    %swap3A_548 = tpu.vector_load %arg7[%swap3A_547] {strides = array<i32>} : memref<512xf32, #tpu.memory_space<vmem>>, vector<16xf32>,
    %swap3A_549 = vector.shape_cast %swap3A_548 : vector<16xf32> to vector<16xf32>
    %swap3A_550 = vector.shape_cast %gather3A_546 : vector<16xf32> to vector<16xf32>
    tpu.vector_store %arg7[%swap3A_547], %swap3A_550 {strides = array<i32>} : memref<512xf32, #tpu.memory_space<vmem>>, vector<16xf32>,
    %get3A_551 = arith.constant 368 : index
    %get3A_552 = tpu.vector_load %arg5[%get3A_551] {strides = array<i32>} : memref<512xi32, #tpu.memory_space<vmem>>, vector<16xi32>,
    %get3A_553 = vector.shape_cast %get3A_552 : vector<16xi32> to vector<16xi32>
    %ge3A_554 = arith.constant 1 : i32
    %ge3A_555 = vector.broadcast %ge3A_554 : i32 to vector<16xi32>
    %ge3A_556 = arith.cmpi sge, %get3A_553, %ge3A_555 : vector<16xi32>
    %le3A_557 = arith.constant 10 : i32
    %le3A_558 = vector.broadcast %le3A_557 : i32 to vector<16xi32>
    %le3A_559 = arith.cmpi sle, %get3A_553, %le3A_558 : vector<16xi32>
    %and3A_560 = arith.andi %ge3A_556, %le3A_559 : vector<16xi1>
    %jit3A_561 = arith.constant 0 : i32
    %broadcast_in_dim3A_562 = vector.broadcast %jit3A_561 : i32 to vector<16xi32>
    %select_n3A_563 = arith.select %and3A_560, %get3A_553, %broadcast_in_dim3A_562 : vector<16xi1>, vector<16xi32>
    %broadcast_in_dim3A_564 = vector.shape_cast %select_n3A_563 : vector<16xi32> to vector<16x1xi32>
    %gather3A_565 = vector.shape_cast %broadcast_in_dim3A_564 : vector<16x1xi32> to vector<16xi32>
    %gather3A_566 = tpu.dynamic_gather %div3A_95[%gather3A_565] in [0] : vector<16xf32>, vector<16xi32> -> vector<16xf32>
    %swap3A_567 = arith.constant 368 : index
    %swap3A_568 = tpu.vector_load %arg7[%swap3A_567] {strides = array<i32>} : memref<512xf32, #tpu.memory_space<vmem>>, vector<16xf32>,
    %swap3A_569 = vector.shape_cast %swap3A_568 : vector<16xf32> to vector<16xf32>
    %swap3A_570 = vector.shape_cast %gather3A_566 : vector<16xf32> to vector<16xf32>
    tpu.vector_store %arg7[%swap3A_567], %swap3A_570 {strides = array<i32>} : memref<512xf32, #tpu.memory_space<vmem>>, vector<16xf32>,
    %get3A_571 = arith.constant 384 : index
    %get3A_572 = tpu.vector_load %arg5[%get3A_571] {strides = array<i32>} : memref<512xi32, #tpu.memory_space<vmem>>, vector<16xi32>,
    %get3A_573 = vector.shape_cast %get3A_572 : vector<16xi32> to vector<16xi32>
    %ge3A_574 = arith.constant 1 : i32
    %ge3A_575 = vector.broadcast %ge3A_574 : i32 to vector<16xi32>
    %ge3A_576 = arith.cmpi sge, %get3A_573, %ge3A_575 : vector<16xi32>
    %le3A_577 = arith.constant 10 : i32
    %le3A_578 = vector.broadcast %le3A_577 : i32 to vector<16xi32>
    %le3A_579 = arith.cmpi sle, %get3A_573, %le3A_578 : vector<16xi32>
    %and3A_580 = arith.andi %ge3A_576, %le3A_579 : vector<16xi1>
    %jit3A_581 = arith.constant 0 : i32
    %broadcast_in_dim3A_582 = vector.broadcast %jit3A_581 : i32 to vector<16xi32>
    %select_n3A_583 = arith.select %and3A_580, %get3A_573, %broadcast_in_dim3A_582 : vector<16xi1>, vector<16xi32>
    %broadcast_in_dim3A_584 = vector.shape_cast %select_n3A_583 : vector<16xi32> to vector<16x1xi32>
    %gather3A_585 = vector.shape_cast %broadcast_in_dim3A_584 : vector<16x1xi32> to vector<16xi32>
    %gather3A_586 = tpu.dynamic_gather %div3A_95[%gather3A_585] in [0] : vector<16xf32>, vector<16xi32> -> vector<16xf32>
    %swap3A_587 = arith.constant 384 : index
    %swap3A_588 = tpu.vector_load %arg7[%swap3A_587] {strides = array<i32>} : memref<512xf32, #tpu.memory_space<vmem>>, vector<16xf32>,
    %swap3A_589 = vector.shape_cast %swap3A_588 : vector<16xf32> to vector<16xf32>
    %swap3A_590 = vector.shape_cast %gather3A_586 : vector<16xf32> to vector<16xf32>
    tpu.vector_store %arg7[%swap3A_587], %swap3A_590 {strides = array<i32>} : memref<512xf32, #tpu.memory_space<vmem>>, vector<16xf32>,
    %get3A_591 = arith.constant 400 : index
    %get3A_592 = tpu.vector_load %arg5[%get3A_591] {strides = array<i32>} : memref<512xi32, #tpu.memory_space<vmem>>, vector<16xi32>,
    %get3A_593 = vector.shape_cast %get3A_592 : vector<16xi32> to vector<16xi32>
    %ge3A_594 = arith.constant 1 : i32
    %ge3A_595 = vector.broadcast %ge3A_594 : i32 to vector<16xi32>
    %ge3A_596 = arith.cmpi sge, %get3A_593, %ge3A_595 : vector<16xi32>
    %le3A_597 = arith.constant 10 : i32
    %le3A_598 = vector.broadcast %le3A_597 : i32 to vector<16xi32>
    %le3A_599 = arith.cmpi sle, %get3A_593, %le3A_598 : vector<16xi32>
    %and3A_600 = arith.andi %ge3A_596, %le3A_599 : vector<16xi1>
    %jit3A_601 = arith.constant 0 : i32
    %broadcast_in_dim3A_602 = vector.broadcast %jit3A_601 : i32 to vector<16xi32>
    %select_n3A_603 = arith.select %and3A_600, %get3A_593, %broadcast_in_dim3A_602 : vector<16xi1>, vector<16xi32>
    %broadcast_in_dim3A_604 = vector.shape_cast %select_n3A_603 : vector<16xi32> to vector<16x1xi32>
    %gather3A_605 = vector.shape_cast %broadcast_in_dim3A_604 : vector<16x1xi32> to vector<16xi32>
    %gather3A_606 = tpu.dynamic_gather %div3A_95[%gather3A_605] in [0] : vector<16xf32>, vector<16xi32> -> vector<16xf32>
    %swap3A_607 = arith.constant 400 : index
    %swap3A_608 = tpu.vector_load %arg7[%swap3A_607] {strides = array<i32>} : memref<512xf32, #tpu.memory_space<vmem>>, vector<16xf32>,
    %swap3A_609 = vector.shape_cast %swap3A_608 : vector<16xf32> to vector<16xf32>
    %swap3A_610 = vector.shape_cast %gather3A_606 : vector<16xf32> to vector<16xf32>
    tpu.vector_store %arg7[%swap3A_607], %swap3A_610 {strides = array<i32>} : memref<512xf32, #tpu.memory_space<vmem>>, vector<16xf32>,
    %get3A_611 = arith.constant 416 : index
    %get3A_612 = tpu.vector_load %arg5[%get3A_611] {strides = array<i32>} : memref<512xi32, #tpu.memory_space<vmem>>, vector<16xi32>,
    %get3A_613 = vector.shape_cast %get3A_612 : vector<16xi32> to vector<16xi32>
    %ge3A_614 = arith.constant 1 : i32
    %ge3A_615 = vector.broadcast %ge3A_614 : i32 to vector<16xi32>
    %ge3A_616 = arith.cmpi sge, %get3A_613, %ge3A_615 : vector<16xi32>
    %le3A_617 = arith.constant 10 : i32
    %le3A_618 = vector.broadcast %le3A_617 : i32 to vector<16xi32>
    %le3A_619 = arith.cmpi sle, %get3A_613, %le3A_618 : vector<16xi32>
    %and3A_620 = arith.andi %ge3A_616, %le3A_619 : vector<16xi1>
    %jit3A_621 = arith.constant 0 : i32
    %broadcast_in_dim3A_622 = vector.broadcast %jit3A_621 : i32 to vector<16xi32>
    %select_n3A_623 = arith.select %and3A_620, %get3A_613, %broadcast_in_dim3A_622 : vector<16xi1>, vector<16xi32>
    %broadcast_in_dim3A_624 = vector.shape_cast %select_n3A_623 : vector<16xi32> to vector<16x1xi32>
    %gather3A_625 = vector.shape_cast %broadcast_in_dim3A_624 : vector<16x1xi32> to vector<16xi32>
    %gather3A_626 = tpu.dynamic_gather %div3A_95[%gather3A_625] in [0] : vector<16xf32>, vector<16xi32> -> vector<16xf32>
    %swap3A_627 = arith.constant 416 : index
    %swap3A_628 = tpu.vector_load %arg7[%swap3A_627] {strides = array<i32>} : memref<512xf32, #tpu.memory_space<vmem>>, vector<16xf32>,
    %swap3A_629 = vector.shape_cast %swap3A_628 : vector<16xf32> to vector<16xf32>
    %swap3A_630 = vector.shape_cast %gather3A_626 : vector<16xf32> to vector<16xf32>
    tpu.vector_store %arg7[%swap3A_627], %swap3A_630 {strides = array<i32>} : memref<512xf32, #tpu.memory_space<vmem>>, vector<16xf32>,
    %get3A_631 = arith.constant 432 : index
    %get3A_632 = tpu.vector_load %arg5[%get3A_631] {strides = array<i32>} : memref<512xi32, #tpu.memory_space<vmem>>, vector<16xi32>,
    %get3A_633 = vector.shape_cast %get3A_632 : vector<16xi32> to vector<16xi32>
    %ge3A_634 = arith.constant 1 : i32
    %ge3A_635 = vector.broadcast %ge3A_634 : i32 to vector<16xi32>
    %ge3A_636 = arith.cmpi sge, %get3A_633, %ge3A_635 : vector<16xi32>
    %le3A_637 = arith.constant 10 : i32
    %le3A_638 = vector.broadcast %le3A_637 : i32 to vector<16xi32>
    %le3A_639 = arith.cmpi sle, %get3A_633, %le3A_638 : vector<16xi32>
    %and3A_640 = arith.andi %ge3A_636, %le3A_639 : vector<16xi1>
    %jit3A_641 = arith.constant 0 : i32
    %broadcast_in_dim3A_642 = vector.broadcast %jit3A_641 : i32 to vector<16xi32>
    %select_n3A_643 = arith.select %and3A_640, %get3A_633, %broadcast_in_dim3A_642 : vector<16xi1>, vector<16xi32>
    %broadcast_in_dim3A_644 = vector.shape_cast %select_n3A_643 : vector<16xi32> to vector<16x1xi32>
    %gather3A_645 = vector.shape_cast %broadcast_in_dim3A_644 : vector<16x1xi32> to vector<16xi32>
    %gather3A_646 = tpu.dynamic_gather %div3A_95[%gather3A_645] in [0] : vector<16xf32>, vector<16xi32> -> vector<16xf32>
    %swap3A_647 = arith.constant 432 : index
    %swap3A_648 = tpu.vector_load %arg7[%swap3A_647] {strides = array<i32>} : memref<512xf32, #tpu.memory_space<vmem>>, vector<16xf32>,
    %swap3A_649 = vector.shape_cast %swap3A_648 : vector<16xf32> to vector<16xf32>
    %swap3A_650 = vector.shape_cast %gather3A_646 : vector<16xf32> to vector<16xf32>
    tpu.vector_store %arg7[%swap3A_647], %swap3A_650 {strides = array<i32>} : memref<512xf32, #tpu.memory_space<vmem>>, vector<16xf32>,
    %get3A_651 = arith.constant 448 : index
    %get3A_652 = tpu.vector_load %arg5[%get3A_651] {strides = array<i32>} : memref<512xi32, #tpu.memory_space<vmem>>, vector<16xi32>,
    %get3A_653 = vector.shape_cast %get3A_652 : vector<16xi32> to vector<16xi32>
    %ge3A_654 = arith.constant 1 : i32
    %ge3A_655 = vector.broadcast %ge3A_654 : i32 to vector<16xi32>
    %ge3A_656 = arith.cmpi sge, %get3A_653, %ge3A_655 : vector<16xi32>
    %le3A_657 = arith.constant 10 : i32
    %le3A_658 = vector.broadcast %le3A_657 : i32 to vector<16xi32>
    %le3A_659 = arith.cmpi sle, %get3A_653, %le3A_658 : vector<16xi32>
    %and3A_660 = arith.andi %ge3A_656, %le3A_659 : vector<16xi1>
    %jit3A_661 = arith.constant 0 : i32
    %broadcast_in_dim3A_662 = vector.broadcast %jit3A_661 : i32 to vector<16xi32>
    %select_n3A_663 = arith.select %and3A_660, %get3A_653, %broadcast_in_dim3A_662 : vector<16xi1>, vector<16xi32>
    %broadcast_in_dim3A_664 = vector.shape_cast %select_n3A_663 : vector<16xi32> to vector<16x1xi32>
    %gather3A_665 = vector.shape_cast %broadcast_in_dim3A_664 : vector<16x1xi32> to vector<16xi32>
    %gather3A_666 = tpu.dynamic_gather %div3A_95[%gather3A_665] in [0] : vector<16xf32>, vector<16xi32> -> vector<16xf32>
    %swap3A_667 = arith.constant 448 : index
    %swap3A_668 = tpu.vector_load %arg7[%swap3A_667] {strides = array<i32>} : memref<512xf32, #tpu.memory_space<vmem>>, vector<16xf32>,
    %swap3A_669 = vector.shape_cast %swap3A_668 : vector<16xf32> to vector<16xf32>
    %swap3A_670 = vector.shape_cast %gather3A_666 : vector<16xf32> to vector<16xf32>
    tpu.vector_store %arg7[%swap3A_667], %swap3A_670 {strides = array<i32>} : memref<512xf32, #tpu.memory_space<vmem>>, vector<16xf32>,
    %get3A_671 = arith.constant 464 : index
    %get3A_672 = tpu.vector_load %arg5[%get3A_671] {strides = array<i32>} : memref<512xi32, #tpu.memory_space<vmem>>, vector<16xi32>,
    %get3A_673 = vector.shape_cast %get3A_672 : vector<16xi32> to vector<16xi32>
    %ge3A_674 = arith.constant 1 : i32
    %ge3A_675 = vector.broadcast %ge3A_674 : i32 to vector<16xi32>
    %ge3A_676 = arith.cmpi sge, %get3A_673, %ge3A_675 : vector<16xi32>
    %le3A_677 = arith.constant 10 : i32
    %le3A_678 = vector.broadcast %le3A_677 : i32 to vector<16xi32>
    %le3A_679 = arith.cmpi sle, %get3A_673, %le3A_678 : vector<16xi32>
    %and3A_680 = arith.andi %ge3A_676, %le3A_679 : vector<16xi1>
    %jit3A_681 = arith.constant 0 : i32
    %broadcast_in_dim3A_682 = vector.broadcast %jit3A_681 : i32 to vector<16xi32>
    %select_n3A_683 = arith.select %and3A_680, %get3A_673, %broadcast_in_dim3A_682 : vector<16xi1>, vector<16xi32>
    %broadcast_in_dim3A_684 = vector.shape_cast %select_n3A_683 : vector<16xi32> to vector<16x1xi32>
    %gather3A_685 = vector.shape_cast %broadcast_in_dim3A_684 : vector<16x1xi32> to vector<16xi32>
    %gather3A_686 = tpu.dynamic_gather %div3A_95[%gather3A_685] in [0] : vector<16xf32>, vector<16xi32> -> vector<16xf32>
    %swap3A_687 = arith.constant 464 : index
    %swap3A_688 = tpu.vector_load %arg7[%swap3A_687] {strides = array<i32>} : memref<512xf32, #tpu.memory_space<vmem>>, vector<16xf32>,
    %swap3A_689 = vector.shape_cast %swap3A_688 : vector<16xf32> to vector<16xf32>
    %swap3A_690 = vector.shape_cast %gather3A_686 : vector<16xf32> to vector<16xf32>
    tpu.vector_store %arg7[%swap3A_687], %swap3A_690 {strides = array<i32>} : memref<512xf32, #tpu.memory_space<vmem>>, vector<16xf32>,
    %get3A_691 = arith.constant 480 : index
    %get3A_692 = tpu.vector_load %arg5[%get3A_691] {strides = array<i32>} : memref<512xi32, #tpu.memory_space<vmem>>, vector<16xi32>,
    %get3A_693 = vector.shape_cast %get3A_692 : vector<16xi32> to vector<16xi32>
    %ge3A_694 = arith.constant 1 : i32
    %ge3A_695 = vector.broadcast %ge3A_694 : i32 to vector<16xi32>
    %ge3A_696 = arith.cmpi sge, %get3A_693, %ge3A_695 : vector<16xi32>
    %le3A_697 = arith.constant 10 : i32
    %le3A_698 = vector.broadcast %le3A_697 : i32 to vector<16xi32>
    %le3A_699 = arith.cmpi sle, %get3A_693, %le3A_698 : vector<16xi32>
    %and3A_700 = arith.andi %ge3A_696, %le3A_699 : vector<16xi1>
    %jit3A_701 = arith.constant 0 : i32
    %broadcast_in_dim3A_702 = vector.broadcast %jit3A_701 : i32 to vector<16xi32>
    %select_n3A_703 = arith.select %and3A_700, %get3A_693, %broadcast_in_dim3A_702 : vector<16xi1>, vector<16xi32>
    %broadcast_in_dim3A_704 = vector.shape_cast %select_n3A_703 : vector<16xi32> to vector<16x1xi32>
    %gather3A_705 = vector.shape_cast %broadcast_in_dim3A_704 : vector<16x1xi32> to vector<16xi32>
    %gather3A_706 = tpu.dynamic_gather %div3A_95[%gather3A_705] in [0] : vector<16xf32>, vector<16xi32> -> vector<16xf32>
    %swap3A_707 = arith.constant 480 : index
    %swap3A_708 = tpu.vector_load %arg7[%swap3A_707] {strides = array<i32>} : memref<512xf32, #tpu.memory_space<vmem>>, vector<16xf32>,
    %swap3A_709 = vector.shape_cast %swap3A_708 : vector<16xf32> to vector<16xf32>
    %swap3A_710 = vector.shape_cast %gather3A_706 : vector<16xf32> to vector<16xf32>
    tpu.vector_store %arg7[%swap3A_707], %swap3A_710 {strides = array<i32>} : memref<512xf32, #tpu.memory_space<vmem>>, vector<16xf32>,
    %get3A_711 = arith.constant 496 : index
    %get3A_712 = tpu.vector_load %arg5[%get3A_711] {strides = array<i32>} : memref<512xi32, #tpu.memory_space<vmem>>, vector<16xi32>,
    %get3A_713 = vector.shape_cast %get3A_712 : vector<16xi32> to vector<16xi32>
    %ge3A_714 = arith.constant 1 : i32
    %ge3A_715 = vector.broadcast %ge3A_714 : i32 to vector<16xi32>
    %ge3A_716 = arith.cmpi sge, %get3A_713, %ge3A_715 : vector<16xi32>
    %le3A_717 = arith.constant 10 : i32
    %le3A_718 = vector.broadcast %le3A_717 : i32 to vector<16xi32>
    %le3A_719 = arith.cmpi sle, %get3A_713, %le3A_718 : vector<16xi32>
    %and3A_720 = arith.andi %ge3A_716, %le3A_719 : vector<16xi1>
    %jit3A_721 = arith.constant 0 : i32
    %broadcast_in_dim3A_722 = vector.broadcast %jit3A_721 : i32 to vector<16xi32>
    %select_n3A_723 = arith.select %and3A_720, %get3A_713, %broadcast_in_dim3A_722 : vector<16xi1>, vector<16xi32>
    %broadcast_in_dim3A_724 = vector.shape_cast %select_n3A_723 : vector<16xi32> to vector<16x1xi32>
    %gather3A_725 = vector.shape_cast %broadcast_in_dim3A_724 : vector<16x1xi32> to vector<16xi32>
    %gather3A_726 = tpu.dynamic_gather %div3A_95[%gather3A_725] in [0] : vector<16xf32>, vector<16xi32> -> vector<16xf32>
    %swap3A_727 = arith.constant 496 : index
    %swap3A_728 = tpu.vector_load %arg7[%swap3A_727] {strides = array<i32>} : memref<512xf32, #tpu.memory_space<vmem>>, vector<16xf32>,
    %swap3A_729 = vector.shape_cast %swap3A_728 : vector<16xf32> to vector<16xf32>
    %swap3A_730 = vector.shape_cast %gather3A_726 : vector<16xf32> to vector<16xf32>
    tpu.vector_store %arg7[%swap3A_727], %swap3A_730 {strides = array<i32>} : memref<512xf32, #tpu.memory_space<vmem>>, vector<16xf32>,
    "tpu.region"() ({
      %run_scoped3A = tpu.sem_alloc : memref<!tpu.dma_semaphore, #tpu.memory_space<semaphore_mem>>
      %dma_start3A_731 = tpu.memref_slice %arg4[%mul3A_2] : memref<16384xf32, #tpu.memory_space<hbm>> -> memref<512xf32, #tpu.memory_space<hbm>>
      %dma_start3A_732 = tpu.memref_slice %arg4[%mul3A_2] : memref<16384xf32, #tpu.memory_space<hbm>> -> memref<512xf32, #tpu.memory_space<hbm>>
      tpu.enqueue_dma source(%arg7 : memref<512xf32, #tpu.memory_space<vmem>>) target(%dma_start3A_732 : memref<512xf32, #tpu.memory_space<hbm>>) target_semaphore(%run_scoped3A : memref<!tpu.dma_semaphore, #tpu.memory_space<semaphore_mem>>)
      %dma_wait3A_733 = tpu.memref_slice %arg4[%mul3A_2] : memref<16384xf32, #tpu.memory_space<hbm>> -> memref<512xf32, #tpu.memory_space<hbm>>
      %dma_wait3A_734 = tpu.memref_slice %arg4[%mul3A_2] : memref<16384xf32, #tpu.memory_space<hbm>> -> memref<512xf32, #tpu.memory_space<hbm>>
      tpu.wait_dma2 semaphore(%run_scoped3A : memref<!tpu.dma_semaphore, #tpu.memory_space<semaphore_mem>>) src(%arg7 : memref<512xf32, #tpu.memory_space<vmem>>) dst(%dma_wait3A_734 : memref<512xf32, #tpu.memory_space<hbm>>)
      tpu.yield
    }) : () -> ()
    return
  }
}

</mosaic_0001>

<sc_bundles>
// kernel: kernel.3.cloned.1.call-start
scs
__scs_entry_jumppad:
0x0: {  	(pc) =	sbr.rel $0x88, $3  }
0x1: {  	(tag) =	ssettag $0x0;
	lr =	simm.s32 $0x1  }
0x2: {  	[smem:$0x3F9D] =	sst lr;
	_ =	strace $0xD0000000  }
0x3: {  	_ = 	snop  }
0x4: {  	_ = 	snop  }
0x5: {  	_ = 	snop  }
0x6: {  	_ = 	snop  }
0x7: {  	_ = 	snop  }
__scs_overlays_trampoline_lowered:
0x8: {  	[smem:$0x3FAC] =	sst s0  }
0x9: {  	[smem:$0x3FAD] =	sst s1  }
0xa: {  	[smem:$0x3FAE] =	sst s2  }
0xb: {  	[smem:$0x3FAF] =	sst s3  }
0xc: {  	[smem:$0x3FB0] =	sst s4  }
0xd: {  	[smem:$0x3FB1] =	sst s5  }
0xe: {  	[smem:$0x3FB2] =	sst s6  }
0xf: {  	[smem:$0x3FB3] =	sst s7  }
0x10: {  	[smem:$0x3FB4] =	sst s8  }
0x11: {  	[smem:$0x3FB5] =	sst s9;
	s0 =	simm.s32 @!p0 $0x0  }
0x12: {  	s1 =	sld [smem:$0x3F9B];
	s0 =	simm.s32 @p0 $0x1  }
0x13: {  	[smem:$0x3FB6] =	sst s0;
	s0 =	simm.s32 @!p1 $0x0  }
0x14: {  	s2 =	sld [smem:$0x3F9A];
	s0 =	simm.s32 @p1 $0x1  }
0x15: {  	[smem:$0x3FB7] =	sst s0;
	s0 =	simm.s32 @!p2 $0x0  }
0x16: {  	s3 =	sld [smem:$0x3FDB];
	s0 =	simm.s32 @p2 $0x1  }
0x17: {  	s4 =	simm.s32 $0x1BF5;
	[smem:$0x3FB9] =	sst s0  }
0x18: {  	s0 =	sld [smem:$0x3F9C];
	_ =	swait.ge [sflag:s4], $0x0  }
0x19: {  	s7 =	sld [smem:$0x3F9D]  }
0x1a: {  	s8 =	sadd.s32 $0xFFFFE003, lr  }
0x1b: {  	s9 =	sadd.s32 $0xFFFFFEF7, lr;
	s5 =	simm.s32 $0xFFFFFFFF;
	p2 =	slt.u32 s8, $0xFFFFF086  }
0x1c: {  	p1 =	slt.u32 s9, $0xF7A;
	s5 =	simm.s32 @!p2 $0x0  }
0x1d: {  	s5 =	simm.s32 @p1 $0x1;
	p0 =	seq.s32 s7, s2  }
0x1e: {  	s7 =	smul.u32 @!p0 $0xF7A, s2;
	p2 =	seq.s32 @!p0 s5, $0x0  }
0x1f: {  	s9 =	smul.u32 $0xF7A, s1;
	s8 =	simm.s32 @!p0 $0x1BF5;
	p2 =	por !p2, p0  }
0x20: {  	[sflag:s8] =	ssyncset.s32 @!p0 $0xFFFFF086;
	s6 =	sadd.s32 @!p0 s3, s7;
	s7 =	simm.s32 @!p0 $0x108  }
0x21: {  	s3 =	sadd.s32 s3, s9;
	s6 =	sadd.s32 @!p0 $0x88, s6;
	s7 =	simm.s32 @p2 $0x1082  }
0x22: {  	[simem:s7], [sflag:s8] =	dma.local @!p0 [hbm:s6], $0xF7A  }
0x23: {  	s9 =	sor.u32 $0xD0000000, s2;
	s6 =	simm.s32 $0x108;
	_ =	swait.ge @!p0 [sflag:s8], $0x0  }
0x24: {  	s3 =	sadd.s32 $0x88, s3;
	s6 =	simm.s32 @!p1 $0x1082;
	[sflag:s4] =	ssyncset.s32 $0xFFFFF086  }
0x25: {  	[simem:s6], [sflag:s4] =	dma.local [hbm:s3], $0xF7A  }
0x26: {  	[smem:$0x3F9D] =	sst s1;
	(tag) =	ssettag s2;
	_ =	strace s9  }
0x27: {  	s1 =	sld [smem:$0x3FAD]  }
0x28: {  	s2 =	sld [smem:$0x3FAE]  }
0x29: {  	s4 =	sld [smem:$0x3FB0]  }
0x2a: {  	p0 =	seq.s32 s5, $0x0;
	s5 =	sld [smem:$0x3FB1]  }
0x2b: {  	s6 =	sld [smem:$0x3FB2]  }
0x2c: {  	s7 =	sld [smem:$0x3FB3]  }
0x2d: {  	s3 =	simm.s32 $0x108;
	s8 =	sld [smem:$0x3FB4]  }
0x2e: {  	s3 =	simm.s32 @!p0 $0x1082;
	s9 =	sld [smem:$0x3FB5]  }
0x2f: {  	lr =	sadd.s32 s0, s3;
	s0 =	sld [smem:$0x3FAC]  }
0x30: {  	s3 =	sld [smem:$0x3FAF]  }
0x31: {  	[smem:$0x3FB8] =	sst s10  }
0x32: {  	s10 =	sld [smem:$0x3FB6];
	_ =	sdelay $0x3  }
0x33: {  	p0 =	seq.s32 s10, $0x1;
	s10 =	sld [smem:$0x3FB8];
	_ =	sdelay $0x3  }
0x34: {  	[smem:$0x3FB8] =	sst s10  }
0x35: {  	s10 =	sld [smem:$0x3FB7];
	_ =	sdelay $0x3  }
0x36: {  	p1 =	seq.s32 s10, $0x1;
	s10 =	sld [smem:$0x3FB8];
	_ =	sdelay $0x3  }
0x37: {  	[smem:$0x3FB8] =	sst s10  }
0x38: {  	s10 =	sld [smem:$0x3FB9]  }
0x39: {  	_ = 	snop;
	(pc) =	sbr.ind lr, $3  }
0x3a: {  	_ = 	snop  }
0x3b: {  	_ = 	snop  }
0x3c: {  	p2 =	seq.s32 s10, $0x1;
	s10 =	sld [smem:$0x3FB8]  }
0x3d: {  	_ =	shalt  }
0x3e: {  	_ =	shalt  }
0x3f: {  	_ =	shalt  }
0x40: {  	_ =	shalt  }
0x41: {  	_ =	shalt  }
0x42: {  	_ =	shalt  }
0x43: {  	_ =	shalt  }
0x44: {  	_ =	shalt  }
0x45: {  	_ =	shalt  }
0x46: {  	_ =	shalt  }
0x47: {  	_ =	shalt  }
0x48: {  	_ =	shalt  }
0x49: {  	_ =	shalt  }
0x4a: {  	_ =	shalt  }
0x4b: {  	_ =	shalt  }
0x4c: {  	_ =	shalt  }
0x4d: {  	_ =	shalt  }
0x4e: {  	_ =	shalt  }
0x4f: {  	_ =	shalt  }
0x50: {  	_ =	shalt  }
0x51: {  	_ =	shalt  }
0x52: {  	_ =	shalt  }
0x53: {  	_ =	shalt  }
0x54: {  	_ =	shalt  }
0x55: {  	_ =	shalt  }
0x56: {  	_ =	shalt  }
0x57: {  	_ =	shalt  }
0x58: {  	_ =	shalt  }
0x59: {  	_ =	shalt  }
0x5a: {  	_ =	shalt  }
0x5b: {  	_ =	shalt  }
0x5c: {  	_ =	shalt  }
0x5d: {  	_ =	shalt  }
0x5e: {  	_ =	shalt  }
0x5f: {  	_ =	shalt  }
0x60: {  	_ =	shalt  }
0x61: {  	_ =	shalt  }
0x62: {  	_ =	shalt  }
0x63: {  	_ =	shalt  }
0x64: {  	_ =	shalt  }
0x65: {  	_ =	shalt  }
0x66: {  	_ =	shalt  }
0x67: {  	_ =	shalt  }
0x68: {  	_ =	shalt  }
0x69: {  	_ =	shalt  }
0x6a: {  	_ =	shalt  }
0x6b: {  	_ =	shalt  }
0x6c: {  	_ =	shalt  }
0x6d: {  	_ =	shalt  }
0x6e: {  	_ =	shalt  }
0x6f: {  	_ =	shalt  }
0x70: {  	_ =	shalt  }
0x71: {  	_ =	shalt  }
0x72: {  	_ =	shalt  }
0x73: {  	_ =	shalt  }
0x74: {  	_ =	shalt  }
0x75: {  	_ =	shalt  }
0x76: {  	_ =	shalt  }
0x77: {  	_ =	shalt  }
0x78: {  	_ =	shalt  }
0x79: {  	_ =	shalt  }
0x7a: {  	_ =	shalt  }
0x7b: {  	_ =	shalt  }
0x7c: {  	_ =	shalt  }
0x7d: {  	_ =	shalt  }
0x7e: {  	_ =	shalt  }
0x7f: {  	_ =	shalt  }
0x80: {  	_ =	shalt  }
0x81: {  	_ =	shalt  }
0x82: {  	_ =	shalt  }
0x83: {  	_ =	shalt  }
0x84: {  	_ =	shalt  }
0x85: {  	_ =	shalt  }
0x86: {  	_ =	shalt  }
0x87: {  	_ =	shalt  }
.Lfunc_end0:
.L_simem_size_0:
called_computation_lowered:
.L_overlay_start_0:
0x88: {  	s2 =	sld [smem:$0x3FD9]  }
0x89: {  	s3 =	sld [smem:$0x3FFE];
	_ =	sdelay $0x1  }
0x8a: {  	s1 =	srdreg.scid  }
0x8b: {  	s0 =	sand.u32 $0x1, s1  }
0x8c: {  	s17 =	sshll.u32 s0, $0xA;
	s2 =	sadd.s32 s3, s2  }
0x8d: {  	s2 =	sadd.s32 s2, s17  }
0x8e: {  	[smem:$0x3FC4] =	sst s2  }
0x8f: {  	_ = 	snop  }
0x90: {  	s2 =	sld [smem:$0x3FC9]  }
0x91: {  	s18 =	sld [smem:$0x3FD0];
	(tm) =	ssettm $0x1  }
0x92: {  	s4 =	sld [smem:$0x3FFB];
	_ =	sdelay $0x3  }
0x93: {  	_ =	strace s4  }
0x94: {  	s4 =	sld [smem:$0x3FFC];
	_ =	sdelay $0x3  }
0x95: {  	_ =	strace s4  }
0x96: {  	s4 =	sld [smem:$0x3FFD];
	_ =	sdelay $0x3  }
0x97: {  	_ =	strace s4  }
0x98: {  	_ =	strace $0x8FFFFFFF  }
0x99: {  	s19 =	sld [smem:$0x3FDB];
	_ =	sdelay $0x1  }
0x9a: {  	s5 =	simm.s32 $_scs_section_size  }
0x9b: {  	s6 =	simm.s32 $_size__tile_overlayer_lowered;
	s7 =	simm.s32 $_tile_overlayer_lowered  }
0x9c: {  	s22 =	simm.s32 $0x1BFF;
	s21 =	sshll.u32 s7, $0x1;
	s4 =	sadd.s32 s5, s19  }
0x9d: {  	s8 =	simm.s32 $0x0;
	s20 =	sshll.u32 s6, $0x1;
	s6 =	sadd.s32 s21, s4  }
0x9e: {  	[timem:s8], [sflag:s22] =	dma.local [hbm:s6], s20  }
0x9f: {  	_ =	swait.ge [sflag:s22], s20  }
0xa0: {  	s5 =	ssub.s32 $0x0, s20;
	[sflag:s22] =	ssyncset.done $0x0  }
0xa1: {  	[sflag:s22] =	ssyncadd.s32 s5;
	_ =	sdelay $0x1  }
0xa2: {  	s23 =	simm.s32 $0x1B8B  }
0xa3: {  	_ =	swait.ge [sflag:s23], $0x1  }
0xa4: {  	[sflag:s23] =	ssyncset.done $0x0  }
0xa5: {  	s25 =	simm.s32 $0x1B8E;
	s24 =	sld [smem:$0x3FFE];
	[sflag:s23] =	ssyncadd.s32 $0xFFFFFFFF  }
0xa6: {  	s26 =	simm.s32 $execute0_lowered;
	[smem:$0x3FD2] =	sst s25  }
0xa7: {  	s6 =	sshll.u32 s26, $0x1;
	_ =	strace $0x80000046;
	[dreg:$0x1] =	wrdreg $0xFFFFFFFF  }
0xa8: {  	s28 =	simm.s32 $_size_execute0_lowered;
	s4 =	sadd.s32 s4, s6;
	[dreg:$0x0] =	wrdreg $0x0  }
0xa9: {  	s6 =	sshll.u32 s28, $0x1;
	[dreg:$0x2] =	wrdreg s4  }
0xaa: {  	[dreg:$0x3] =	wrdreg s6  }
0xab: {  	[dreg:$0x4] =	wrdreg $0xC0  }
0xac: {  	_ =	task [dreg:s8], $0x5FFFF  }
0xad: {  	[dreg:$0x1] =	wrdreg $0xFFFFFFFF  }
0xae: {  	[dreg:$0x0] =	wrdreg $0x60  }
0xaf: {  	[dreg:$0x2] =	wrdreg s2  }
0xb0: {  	[dreg:$0x3] =	wrdreg s24  }
0xb1: {  	[dreg:$0x4] =	wrdreg s18  }
0xb2: {  	[dreg:$0x5] =	wrdreg $0x9  }
0xb3: {  	_ =	task.clear_ibuf [dreg:s8], $0x6FFFF;
	_ =	strace $0x90000046  }
0xb4: {  	s29 =	simm.s32 $0x9;
	_ =	strace $0x80000048  }
0xb5: {  	_ =	swait.ge [sflag:s29], $0x1  }
0xb6: {  	[sflag:s29] =	ssyncadd.s32 $0xFFFFFFFF  }
0xb7: {  	_ =	strace $0x90000048  }
0xb8: {  	_ =	sfence  }
0xb9: {  	s30 =	sld [smem:$0x0];
	_ =	sdelay $0x2  }
0xba: {  	s31 =	sshll.u32 s1, $0xD;
	s1 =	sshrl.u32 s1, $0x2  }
0xbb: {  	s3 =	sand.u32 $0x4000, s31;
	s1 =	sadd.s32 s1, s30  }
0xbc: {  	s0 =	sor.u32 s3, s0;
	s1 =	sshll.u32 s1, $0x11  }
0xbd: {  	s0 =	sor.u32 s1, s0  }
0xbe: {  	s0 =	sadd.s32 $0x8F2B, s0  }
0xbf: {  	[sflag:s0] =	ssyncadd.remote.s32 $0x1  }
0xc0: {  	_ =	sfence.sel $0xFFFF  }
0xc1: {  	[dreg:$0x0] =	wrdreg $0xFFFFFFFF;
	(pc) =	sbr.abs _section_cstart, $3  }
0xc2: {  	[dreg:$0x1] =	wrdreg $0xFFFFFFFF  }
0xc3: {  	_ =	task.clear_ibuf [dreg:s8], $0x2FFFF;
	_ =	strace $0x9FFFFFFF  }
0xc4: {  	(tm) =	ssettm $0x7FFFFFFF  }
0xc5: {  	_ =	shalt  }
tec
execute0_lowered:
.L_overlay_start_1:
0x0: {  	(tag) =	ssettag $0x1  }
0x1: {  	s3 =	rddreg [dreg:$0x0]  }
0x2: {  	s7 =	rddreg [dreg:$0x1];
	s2 =	srdreg.scid  }
0x3: {  	s4 =	rddreg [dreg:$0x2];
	s1 =	stileid.u32;
	s10 =	sand.u32 $0x1, s2  }
0x4: {  	s2 =	simm.s32 $0x0;
	s5 =	sshll.u32 s1, $0x7;
	s6 =	sshll.u32 s10, $0x6  }
0x5: {  	[smem:$0x7FF] =	sst s2;
	s5 =	sor.u32 s6, s5  }
0x6: {  	s0 =	rddreg [dreg:$0x3];
	_ =	strace $0x80000047;
	s6 =	sadd.s32 s3, s5  }
0x7: {  	[tilespmem:s2], [sflag:$0x1] =	stream.linear.gather [hbm4b:s6+s2], $0x200, $0x38;
	[tilespmem:$0x500] =	vst v63  }
0x8: {  	s8 =	simm.s32 $0x200;
	s7 =	sadd.s32 $0x600, s7;
	s3 =	simm.s32 $0x2  }
0x9: {  	[tilespmem:s8], [sflag:$0x2] =	stream.linear.gather [hbm4b:s7+s2], $0x100, $0x38;
	[tilespmem:$0x500] =	vst v63  }
0xa: {  	_ =	swait.ge [sflag:s3], $0x100  }
0xb: {  	[sflag:s3] =	ssyncset.done $0x0  }
0xc: {  	[sflag:s3] =	ssyncadd.s32 $0xFFFFFF00  }
0xd: {  	v9 =	vld [tilespmem:$0x280];
	_ =	sdelay $0x1  }
0xe: {  	v3 =	vld [tilespmem:$0x200];
	_ =	sdelay $0x1  }
0xf: {  	v0 =	vimm.s32 $0x0;
	v4 =	vld [tilespmem:$0x210]  }
0x10: {  	v1 =	vimm.s32 $0x1;
	v5 =	vperm.xlane v9, v0  }
0x11: {  	v2 =	vimm.s32 $0x8;
	v6 =	vld [tilespmem:$0x220];
	v7 =	vperm.xlane v9, v1  }
0x12: {  	v8 =	vperm.xlane v9, v2;
	v5 =	vmul.f32 v5, v3  }
0x13: {  	v10 =	vld [tilespmem:$0x230];
	v3 =	vimm.s32 $0x2  }
0x14: {  	v7 =	vmul.f32 v7, v4;
	v11 =	vperm.xlane v9, v3;
	v5 =	vadd.f32 v5, v8  }
0x15: {  	v4 =	vimm.s32 $0x3;
	v8 =	vld [tilespmem:$0x240]  }
0x16: {  	v12 =	vperm.xlane v9, v4;
	v6 =	vmul.f32 v11, v6;
	v7 =	vadd.f32 v7, v5  }
0x17: {  	v11 =	vld [tilespmem:$0x250];
	v5 =	vimm.s32 $0x4  }
0x18: {  	v10 =	vmul.f32 v12, v10;
	v13 =	vperm.xlane v9, v5;
	v7 =	vadd.f32 v6, v7  }
0x19: {  	v12 =	vld [tilespmem:$0x260];
	v6 =	vimm.s32 $0x5  }
0x1a: {  	v14 =	vperm.xlane v9, v6;
	v8 =	vmul.f32 v13, v8;
	v10 =	vadd.f32 v10, v7  }
0x1b: {  	v13 =	vld [tilespmem:$0x270];
	v7 =	vimm.s32 $0x6  }
0x1c: {  	v15 =	vperm.xlane v9, v7;
	v11 =	vmul.f32 v14, v11;
	v10 =	vadd.f32 v8, v10  }
0x1d: {  	v8 =	vimm.s32 $0x7  }
0x1e: {  	v9 =	vperm.xlane v9, v8;
	v10 =	vadd.f32 v11, v10;
	v11 =	vmul.f32 v15, v12;
	_ =	sdelay $0x1  }
0x1f: {  	v9 =	vmul.f32 v9, v13;
	v10 =	vadd.f32 v11, v10;
	_ =	sdelay $0x1  }
0x20: {  	v9 =	vadd.f32 v9, v10;
	_ =	sdelay $0x1  }
0x21: {  	v9 =	vsub.f32 $0.0e+00, v9;
	_ =	sdelay $0x1  }
0x22: {  	v9 =	vmul.f32 $1.442695020e+00, v9;
	_ =	sdelay $0x1  }
0x23: {  	(erf) = vpow2.f32 v9;
	_ =	sdelay $0x8  }
0x24: {  	s9 =	simm.s32 $0x1;
	v9 =	vpop (erf)  }
0x25: {  	_ =	swait.ge [sflag:s9], $0x200  }
0x26: {  	v9 =	vadd.f32 $1.000000000e+00, v9;
	[sflag:s9] =	ssyncset.done $0x0  }
0x27: {  	[sflag:s9] =	ssyncadd.s32 $0xFFFFFE00  }
0x28: {  	(erf) = vrcp.f32 v9;
	v9 =	vld [tilespmem:$0x1E0]  }
0x29: {  	v10 =	vld [tilespmem:$0x1C0]  }
0x2a: {  	v22 =	vld [tilespmem:$0x40]  }
0x2b: {  	v11 =	vld [tilespmem:$0x10]  }
0x2c: {  	v12 =	vld [tilespmem:$0x30]  }
0x2d: {  	s10 =	ssub.s32 $0x2, s10  }
0x2e: {  	s11 =	sshrl.u32 s10, $0x1;
	v13 =	vld [tilespmem:$0x90]  }
0x2f: {  	s10 =	ssub.s32 s10, s11;
	v23 =	vld [tilespmem:$0x50];
	v14 =	vadd.s32 $0xFFFFFFFF, v9;
	v15 =	vadd.s32 $0xFFFFFFFF, v10;
	v21 =	vadd.s32 $0xFFFFFFFF, v22  }
0x30: {  	s10 =	smax.u32 s10, $0x1;
	v16 =	vld [tilespmem:$0xD0];
	vm0 =	vlt.u32 v14, $0xA;
	v14 =	vadd.s32 $0xFFFFFFFF, v11;
	vm1 =	vlt.u32 v15, $0xA  }
0x31: {  	p0 =	sne.s32 s10, $0x1;
	v19 =	vld [tilespmem:$0xF0];
	v15 =	vnsel vm0, $0x0, v9;
	vm0 =	vlt.u32 v14, $0xA;
	v14 =	vadd.s32 $0xFFFFFFFF, v12  }
.Ltmp0:
0x32: {  	v20 =	vld [tilespmem:$0x130];
	v18 =	vnsel vm1, $0x0, v10;
	v9 =	vpop (erf);
	v11 =	vnsel vm0, $0x0, v11;
	vm0 =	vlt.u32 v14, $0xA;
	(pc) =	sbr.rel @!p0 .LBB2_2-.Ltmp0, $4  }
0x33: {  	v10 =	vld [tilespmem:$0x110];
	v17 =	vperm.xlane v9, v11;
	v11 =	vnsel vm0, $0x0, v12;
	v14 =	vperm.xlane v9, v18  }
0x34: {  	vm0 =	vlt.u32 v21, $0xA;
	v12 =	vadd.s32 $0xFFFFFFFF, v23;
	v21 =	vld [tilespmem:$0x150];
	v18 =	vperm.xlane v9, v11  }
0x35: {  	v11 =	vnsel vm0, $0x0, v22;
	vm0 =	vlt.u32 v12, $0xA;
	v12 =	vadd.s32 $0xFFFFFFFF, v16;
	v22 =	vld [tilespmem:$0x170]  }
0x36: {  	s4 =	sadd.s32 s4, s5;
	s5 =	simm.s32 $0x300;
	s10 =	sadd.s32 $0xFFFFFFFF, s10;
	v24 =	vadd.s32 $0xFFFFFFFF, v19;
	v23 =	vnsel vm0, $0x0, v23;
	vm0 =	vlt.u32 v12, $0xA;
	v12 =	vld [tilespmem:$0x190]  }
.LBB2_1:
0x37: {  	p0 =	sne.s32 s10, $0x1;
	s10 =	sadd.s32 $0xFFFFFFFF, s10;
	v23 =	vperm.xlane v9, v23;
	v16 =	vnsel vm0, $0x0, v16;
	vm0 =	vlt.u32 v24, $0xA;
	v24 =	vld [tilespmem:$0x1B0]  }
0x38: {  	v25 =	vperm.xlane v9, v16;
	v16 =	vnsel vm0, $0x0, v19;
	v19 =	vadd.s32 $0xFFFFFFFF, v20;
	v26 =	vld [tilespmem:$0x1D0]  }
0x39: {  	v27 =	vld [tilespmem:$0x0];
	v16 =	vperm.xlane v9, v16;
	vm0 =	vlt.u32 v19, $0xA;
	v19 =	vadd.s32 $0xFFFFFFFF, v21  }
0x3a: {  	v28 =	vld [tilespmem:$0x20];
	[tilespmem:$0x3D0] =	vst v25;
	v20 =	vnsel vm0, $0x0, v20;
	vm0 =	vlt.u32 v19, $0xA;
	v19 =	vadd.s32 $0xFFFFFFFF, v22  }
0x3b: {  	v25 =	vld [tilespmem:$0x60];
	v20 =	vperm.xlane v9, v20;
	v21 =	vnsel vm0, $0x0, v21;
	vm0 =	vlt.u32 v19, $0xA  }
0x3c: {  	v19 =	vld [tilespmem:$0x70];
	v21 =	vperm.xlane v9, v21;
	v22 =	vnsel vm0, $0x0, v22;
	v29 =	vadd.s32 $0xFFFFFFFF, v24  }
0x3d: {  	[tilespmem:$0x330] =	vst v18;
	v18 =	vld [tilespmem:$0x80];
	v22 =	vperm.xlane v9, v22;
	vm0 =	vlt.u32 v29, $0xA;
	v29 =	vadd.s32 $0xFFFFFFFF, v26  }
0x3e: {  	v30 =	vadd.s32 $0xFFFFFFFF, v12;
	[tilespmem:$0x310] =	vst v17;
	v17 =	vld [tilespmem:$0xA0];
	v24 =	vnsel vm0, $0x0, v24;
	vm0 =	vlt.u32 v29, $0xA  }
0x3f: {  	v29 =	vadd.s32 $0xFFFFFFFF, v27;
	v31 =	vld [tilespmem:$0xB0];
	[tilespmem:$0x470] =	vst v22;
	v22 =	vperm.xlane v9, v24;
	v24 =	vnsel vm0, $0x0, v26  }
0x40: {  	v15 =	vperm.xlane v9, v15;
	vm1 =	vlt.u32 v29, $0xA;
	v26 =	vld [tilespmem:$0xC0];
	[tilespmem:$0x450] =	vst v21;
	v21 =	vperm.xlane v9, v24  }
0x41: {  	v29 =	vadd.s32 $0xFFFFFFFF, v13;
	vm0 =	vlt.u32 v30, $0xA;
	v24 =	vadd.s32 $0xFFFFFFFF, v19;
	v32 =	vld [tilespmem:$0xE0];
	[tilespmem:$0x430] =	vst v20  }
0x42: {  	vm3 =	vlt.u32 v29, $0xA;
	vm2 =	vlt.u32 v24, $0xA;
	v20 =	vadd.s32 $0xFFFFFFFF, v18;
	v24 =	vld [tilespmem:$0x100];
	[tilespmem:$0x4D0] =	vst v21  }
0x43: {  	v13 =	vnsel vm3, $0x0, v13;
	v21 =	vadd.s32 $0xFFFFFFFF, v28;
	[tilespmem:$0x350] =	vst v23;
	v23 =	vadd.s32 $0xFFFFFFFF, v25;
	v29 =	vld [tilespmem:$0x120]  }
0x44: {  	v13 =	vperm.xlane v9, v13;
	v19 =	vnsel vm2, $0x0, v19;
	vm2 =	vlt.u32 v20, $0xA;
	v20 =	vld [tilespmem:$0x140];
	[tilespmem:$0x4B0] =	vst v22  }
0x45: {  	v18 =	vnsel vm2, $0x0, v18;
	v22 =	vadd.s32 $0xFFFFFFFF, v31;
	v30 =	vadd.s32 $0xFFFFFFFF, v26;
	v33 =	vld [tilespmem:$0x160]  }
0x46: {  	[tilespmem:$0x390] =	vst v13;
	v13 =	vadd.s32 $0xFFFFFFFF, v17;
	vm2 =	vlt.u32 v30, $0xA;
	v30 =	vadd.s32 $0xFFFFFFFF, v32;
	v34 =	vld [tilespmem:$0x180]  }
0x47: {  	v26 =	vnsel vm2, $0x0, v26;
	vm2 =	vlt.u32 v30, $0xA;
	v30 =	vadd.s32 $0xFFFFFFFF, v24;
	v35 =	vld [tilespmem:$0x1A0];
	[tilespmem:$0x4E0] =	vst v15  }
0x48: {  	v15 =	vperm.xlane v9, v26;
	v26 =	vnsel vm2, $0x0, v32;
	vm2 =	vlt.u32 v30, $0xA;
	[tilespmem:$0x4C0] =	vst v14;
	v14 =	vld [tilespmem:$0x1F0]  }
0x49: {  	v26 =	vperm.xlane v9, v26;
	v24 =	vnsel vm2, $0x0, v24;
	v30 =	vadd.s32 $0xFFFFFFFF, v20  }
0x4a: {  	vm3 =	vlt.u32 v13, $0xA;
	vm2 =	vlt.u32 v23, $0xA;
	[tilespmem:$0x3C0] =	vst v15;
	v13 =	vperm.xlane v9, v24  }
0x4b: {  	v17 =	vnsel vm3, $0x0, v17;
	v15 =	vnsel vm2, $0x0, v25;
	[tilespmem:$0x3E0] =	vst v26;
	v23 =	vadd.s32 $0xFFFFFFFF, v34  }
0x4c: {  	v17 =	vperm.xlane v9, v17;
	v15 =	vperm.xlane v9, v15;
	v24 =	vadd.s32 $0xFFFFFFFF, v35  }
0x4d: {  	v18 =	vperm.xlane v9, v18;
	[tilespmem:$0x400] =	vst v13;
	v13 =	vadd.s32 $0xFFFFFFFF, v10;
	v25 =	vadd.s32 $0xFFFFFFFF, v14  }
0x4e: {  	vm3 =	vlt.u32 v21, $0xA;
	vm2 =	vlt.u32 v24, $0xA;
	[tilespmem:$0x3A0] =	vst v17;
	vm4 =	vlt.u32 v13, $0xA  }
0x4f: {  	v13 =	vnsel vm1, $0x0, v27;
	v17 =	vnsel vm3, $0x0, v28;
	[tilespmem:$0x380] =	vst v18;
	v10 =	vnsel vm4, $0x0, v10  }
0x50: {  	v17 =	vperm.xlane v9, v17;
	[tilespmem:$0x360] =	vst v15;
	v10 =	vperm.xlane v9, v10;
	v15 =	vadd.s32 $0xFFFFFFFF, v29  }
0x51: {  	v12 =	vnsel vm0, $0x0, v12;
	v13 =	vperm.xlane v9, v13;
	[tilespmem:$0x3F0] =	vst v16;
	vm1 =	vlt.u32 v15, $0xA  }
0x52: {  	v11 =	vperm.xlane v9, v11;
	vm0 =	vlt.u32 v23, $0xA;
	[tilespmem:$0x320] =	vst v17;
	v15 =	vnsel vm1, $0x0, v29  }
0x53: {  	v16 =	vnsel vm0, $0x0, v34;
	[tilespmem:$0x410] =	vst v10;
	v10 =	vperm.xlane v9, v15;
	v15 =	vadd.s32 $0xFFFFFFFF, v33  }
0x54: {  	vm0 =	vlt.u32 v30, $0xA;
	[tilespmem:$0x340] =	vst v11;
	vm1 =	vlt.u32 v15, $0xA;
	v11 =	vperm.xlane v9, v16  }
0x55: {  	vm3 =	vlt.u32 v22, $0xA;
	[tilespmem:$0x420] =	vst v10;
	v10 =	vnsel vm0, $0x0, v20;
	v15 =	vnsel vm1, $0x0, v33  }
0x56: {  	v16 =	vnsel vm3, $0x0, v31;
	v10 =	vperm.xlane v9, v10;
	v15 =	vperm.xlane v9, v15;
	[tilespmem:$0x480] =	vst v11  }
0x57: {  	v11 =	vperm.xlane v9, v19;
	[tilespmem:$0x300] =	vst v13;
	v13 =	vperm.xlane v9, v16;
	v16 =	vnsel vm2, $0x0, v35  }
0x58: {  	vm0 =	vlt.u32 v25, $0xA;
	[tilespmem:$0x440] =	vst v10;
	v10 =	vperm.xlane v9, v12;
	v12 =	vperm.xlane v9, v16  }
0x59: {  	[tilespmem:$0x370] =	vst v11;
	v11 =	vnsel vm0, $0x0, v14  }
0x5a: {  	[tilespmem:$0x490] =	vst v10;
	v9 =	vperm.xlane v9, v11  }
0x5b: {  	[tilespmem:$0x3B0] =	vst v13  }
0x5c: {  	[tilespmem:$0x4A0] =	vst v12  }
0x5d: {  	[tilespmem:$0x4F0] =	vst v9  }
0x5e: {  	[tilespmem:$0x460] =	vst v15  }
0x5f: {  	[hbm4b:s4+s2] =	stream.linear.scatter [tilespmem:s5], [sflag:$0x2], $0x200, $0x38;
	[tilespmem:$0x500] =	vst v63  }
0x60: {  	_ =	swait.ge [sflag:s3], $0x200  }
0x61: {  	[sflag:s3] =	ssyncset.done $0x0  }
0x62: {  	[sflag:s3] =	ssyncadd.s32 $0xFFFFFE00  }
0x63: {  	[tilespmem:s2], [sflag:$0x1] =	stream.linear.gather [hbm4b:s6+s2], $0x200, $0x38;
	[tilespmem:$0x500] =	vst v63  }
0x64: {  	_ = 	snop  }
0x65: {  	[tilespmem:s8], [sflag:$0x2] =	stream.linear.gather [hbm4b:s7+s2], $0x100, $0x38;
	[tilespmem:$0x500] =	vst v63  }
0x66: {  	_ =	swait.ge [sflag:s3], $0x100  }
0x67: {  	[sflag:s3] =	ssyncset.done $0x0  }
0x68: {  	[sflag:s3] =	ssyncadd.s32 $0xFFFFFF00  }
0x69: {  	v9 =	vld [tilespmem:$0x280]  }
0x6a: {  	v10 =	vld [tilespmem:$0x200]  }
0x6b: {  	v11 =	vld [tilespmem:$0x210]  }
0x6c: {  	v12 =	vld [tilespmem:$0x220]  }
0x6d: {  	v13 =	vld [tilespmem:$0x230]  }
0x6e: {  	v14 =	vperm.xlane v9, v0;
	v15 =	vperm.xlane v9, v1;
	v16 =	vld [tilespmem:$0x240]  }
0x6f: {  	v17 =	vperm.xlane v9, v3;
	v18 =	vperm.xlane v9, v4;
	v19 =	vld [tilespmem:$0x250]  }
0x70: {  	v20 =	vperm.xlane v9, v2;
	v10 =	vmul.f32 v14, v10;
	v14 =	vld [tilespmem:$0x260]  }
0x71: {  	v21 =	vperm.xlane v9, v5;
	v22 =	vperm.xlane v9, v6;
	v23 =	vld [tilespmem:$0x270]  }
0x72: {  	v11 =	vmul.f32 v15, v11;
	v15 =	vperm.xlane v9, v7;
	v10 =	vadd.f32 v10, v20  }
0x73: {  	v9 =	vperm.xlane v9, v8  }
0x74: {  	v10 =	vadd.f32 v11, v10;
	v11 =	vmul.f32 v17, v12;
	_ =	sdelay $0x1  }
0x75: {  	v10 =	vadd.f32 v11, v10;
	v11 =	vmul.f32 v18, v13;
	_ =	sdelay $0x1  }
0x76: {  	v10 =	vadd.f32 v11, v10;
	v11 =	vmul.f32 v21, v16;
	_ =	sdelay $0x1  }
0x77: {  	v10 =	vadd.f32 v11, v10;
	v11 =	vmul.f32 v22, v19;
	_ =	sdelay $0x1  }
0x78: {  	v10 =	vadd.f32 v11, v10;
	v11 =	vmul.f32 v15, v14;
	_ =	sdelay $0x1  }
0x79: {  	v9 =	vmul.f32 v9, v23;
	v10 =	vadd.f32 v11, v10;
	_ =	sdelay $0x1  }
0x7a: {  	v9 =	vadd.f32 v9, v10;
	_ =	sdelay $0x1  }
0x7b: {  	v9 =	vsub.f32 $0.0e+00, v9;
	_ =	sdelay $0x1  }
0x7c: {  	v9 =	vmul.f32 $1.442695020e+00, v9;
	_ =	sdelay $0x1  }
0x7d: {  	(erf) = vpow2.f32 v9;
	_ =	sdelay $0x8  }
0x7e: {  	v9 =	vpop (erf)  }
0x7f: {  	v9 =	vadd.f32 $1.000000000e+00, v9  }
0x80: {  	_ =	swait.ge [sflag:s9], $0x200  }
0x81: {  	[sflag:s9] =	ssyncset.done $0x0;
	(erf) = vrcp.f32 v9  }
0x82: {  	[sflag:s9] =	ssyncadd.s32 $0xFFFFFE00  }
0x83: {  	v9 =	vld [tilespmem:$0x1E0]  }
0x84: {  	v10 =	vld [tilespmem:$0x1C0]  }
0x85: {  	v11 =	vld [tilespmem:$0x10]  }
0x86: {  	v12 =	vld [tilespmem:$0x30]  }
0x87: {  	v22 =	vld [tilespmem:$0x40]  }
0x88: {  	v13 =	vld [tilespmem:$0x90];
	v14 =	vadd.s32 $0xFFFFFFFF, v9  }
0x89: {  	v23 =	vld [tilespmem:$0x50];
	v15 =	vadd.s32 $0xFFFFFFFF, v10;
	vm0 =	vlt.u32 v14, $0xA  }
0x8a: {  	v14 =	vadd.s32 $0xFFFFFFFF, v11;
	v16 =	vld [tilespmem:$0xD0];
	vm1 =	vlt.u32 v15, $0xA;
	v15 =	vnsel vm0, $0x0, v9;
	v9 =	vpop (erf)  }
0x8b: {  	vm0 =	vlt.u32 v14, $0xA;
	v14 =	vadd.s32 $0xFFFFFFFF, v12;
	v19 =	vld [tilespmem:$0xF0];
	v18 =	vnsel vm1, $0x0, v10  }
.Ltmp1:
0x8c: {  	v11 =	vnsel vm0, $0x0, v11;
	vm0 =	vlt.u32 v14, $0xA;
	v21 =	vadd.s32 $0xFFFFFFFF, v22;
	v10 =	vld [tilespmem:$0x110];
	(pc) =	sbr.rel @p0 .LBB2_1-.Ltmp1, $4  }
0x8d: {  	v14 =	vperm.xlane v9, v18;
	v17 =	vperm.xlane v9, v11;
	v11 =	vnsel vm0, $0x0, v12;
	v20 =	vld [tilespmem:$0x130]  }
0x8e: {  	vm0 =	vlt.u32 v21, $0xA;
	v18 =	vperm.xlane v9, v11;
	v12 =	vadd.s32 $0xFFFFFFFF, v23;
	v21 =	vld [tilespmem:$0x150]  }
0x8f: {  	v11 =	vnsel vm0, $0x0, v22;
	vm0 =	vlt.u32 v12, $0xA;
	v12 =	vadd.s32 $0xFFFFFFFF, v16;
	v22 =	vld [tilespmem:$0x170]  }
0x90: {  	v23 =	vnsel vm0, $0x0, v23;
	vm0 =	vlt.u32 v12, $0xA;
	v24 =	vadd.s32 $0xFFFFFFFF, v19;
	v12 =	vld [tilespmem:$0x190]  }
.LBB2_2:
0x91: {  	v1 =	vld [tilespmem:$0x1B0]  }
0x92: {  	v4 =	vld [tilespmem:$0x1D0]  }
0x93: {  	v6 =	vld [tilespmem:$0x0]  }
0x94: {  	v42 =	vld [tilespmem:$0x20]  }
0x95: {  	v0 =	vnsel vm0, $0x0, v16;
	vm6 =	vlt.u32 v24, $0xA;
	v44 =	vld [tilespmem:$0x60]  }
0x96: {  	v2 =	vperm.xlane v9, v23;
	v47 =	vld [tilespmem:$0x70];
	v15 =	vperm.xlane v9, v15;
	v58 =	vadd.s32 $0xFFFFFFFF, v13  }
0x97: {  	v50 =	vld [tilespmem:$0x80];
	v0 =	vperm.xlane v9, v0;
	v3 =	vnsel vm6, $0x0, v19;
	v5 =	vadd.s32 $0xFFFFFFFF, v20  }
0x98: {  	v52 =	vld [tilespmem:$0xA0];
	vm3 =	vlt.u32 v58, $0xA;
	v40 =	vadd.s32 $0xFFFFFFFF, v10;
	v3 =	vperm.xlane v9, v3  }
0x99: {  	v55 =	vld [tilespmem:$0xC0];
	v7 =	vadd.s32 $0xFFFFFFFF, v21;
	vm7 =	vlt.u32 v5, $0xA;
	v62 =	vnsel vm3, $0x0, v13  }
0x9a: {  	v56 =	vld [tilespmem:$0xE0];
	vm1 =	vlt.u32 v7, $0xA;
	v43 =	vadd.s32 $0xFFFFFFFF, v22;
	v8 =	vnsel vm7, $0x0, v20  }
0x9b: {  	[tilespmem:$0x330] =	vst v18;
	v59 =	vld [tilespmem:$0x100];
	v13 =	vperm.xlane v9, v62;
	v45 =	vnsel vm1, $0x0, v21;
	vm8 =	vlt.u32 v43, $0xA  }
0x9c: {  	[tilespmem:$0x310] =	vst v17;
	v30 =	vld [tilespmem:$0xB0];
	v46 =	vperm.xlane v9, v8;
	v53 =	vadd.s32 $0xFFFFFFFF, v12;
	v19 =	vperm.xlane v9, v45  }
0x9d: {  	[tilespmem:$0x4C0] =	vst v14;
	v48 =	vnsel vm8, $0x0, v22;
	v49 =	vadd.s32 $0xFFFFFFFF, v1;
	v51 =	vadd.s32 $0xFFFFFFFF, v4  }
0x9e: {  	[tilespmem:$0x350] =	vst v2;
	v54 =	vadd.s32 $0xFFFFFFFF, v6;
	v57 =	vadd.s32 $0xFFFFFFFF, v47;
	vm0 =	vlt.u32 v53, $0xA  }
0x9f: {  	[tilespmem:$0x4E0] =	vst v15;
	v60 =	vadd.s32 $0xFFFFFFFF, v50;
	v61 =	vadd.s32 $0xFFFFFFFF, v42;
	v63 =	vadd.s32 $0xFFFFFFFF, v44  }
0xa0: {  	[tilespmem:$0x3D0] =	vst v0;
	v24 =	vadd.s32 $0xFFFFFFFF, v55;
	v25 =	vadd.s32 $0xFFFFFFFF, v52;
	v26 =	vadd.s32 $0xFFFFFFFF, v56  }
0xa1: {  	[tilespmem:$0x3F0] =	vst v3;
	v28 =	vadd.s32 $0xFFFFFFFF, v59;
	v41 =	vadd.s32 $0xFFFFFFFF, v30;
	vm8 =	vlt.u32 v40, $0xA  }
0xa2: {  	[tilespmem:$0x390] =	vst v13;
	v20 =	vperm.xlane v9, v48;
	vm9 =	vlt.u32 v49, $0xA;
	vm10 =	vlt.u32 v51, $0xA  }
0xa3: {  	vm11 =	vlt.u32 v54, $0xA;
	[tilespmem:$0x430] =	vst v46;
	vm2 =	vlt.u32 v57, $0xA;
	v43 =	vnsel vm8, $0x0, v10  }
0xa4: {  	vm12 =	vlt.u32 v24, $0xA;
	vm13 =	vlt.u32 v26, $0xA;
	[tilespmem:$0x450] =	vst v19;
	v10 =	vperm.xlane v9, v43  }
0xa5: {  	v4 =	vnsel vm10, $0x0, v4;
	v37 =	vnsel vm2, $0x0, v47;
	v47 =	vperm.xlane v9, v11;
	[tilespmem:$0x470] =	vst v20  }
0xa6: {  	v36 =	vld [tilespmem:$0x180];
	vm14 =	vlt.u32 v28, $0xA;
	v1 =	vnsel vm9, $0x0, v1;
	v4 =	vperm.xlane v9, v4;
	[tilespmem:$0x410] =	vst v10  }
0xa7: {  	v39 =	vld [tilespmem:$0x140];
	vm15 =	vlt.u32 v25, $0xA;
	v27 =	vnsel vm12, $0x0, v55;
	v1 =	vperm.xlane v9, v1;
	[tilespmem:$0x340] =	vst v47  }
0xa8: {  	v33 =	vld [tilespmem:$0x120];
	vm4 =	vlt.u32 v60, $0xA;
	v29 =	vnsel vm13, $0x0, v56;
	v13 =	vperm.xlane v9, v27;
	[tilespmem:$0x4D0] =	vst v4  }
0xa9: {  	vm6 =	vlt.u32 v63, $0xA;
	v32 =	vnsel vm14, $0x0, v59;
	v31 =	vperm.xlane v9, v29;
	[tilespmem:$0x4B0] =	vst v1  }
0xaa: {  	vm7 =	vlt.u32 v61, $0xA;
	v0 =	vnsel vm15, $0x0, v52;
	v34 =	vperm.xlane v9, v32;
	[tilespmem:$0x3C0] =	vst v13  }
0xab: {  	v46 =	vadd.s32 $0xFFFFFFFF, v36;
	v38 =	vnsel vm6, $0x0, v44;
	v0 =	vperm.xlane v9, v0;
	[tilespmem:$0x3E0] =	vst v31  }
0xac: {  	v49 =	vadd.s32 $0xFFFFFFFF, v39;
	v6 =	vnsel vm11, $0x0, v6;
	v8 =	vperm.xlane v9, v38;
	[tilespmem:$0x400] =	vst v34  }
0xad: {  	v45 =	vld [tilespmem:$0x1F0];
	v35 =	vnsel vm4, $0x0, v50;
	v44 =	vadd.s32 $0xFFFFFFFF, v33;
	v6 =	vperm.xlane v9, v6;
	[tilespmem:$0x3A0] =	vst v0  }
0xae: {  	v48 =	vld [tilespmem:$0x160];
	vm10 =	vlt.u32 v46, $0xA;
	v55 =	vnsel vm0, $0x0, v12;
	v56 =	vperm.xlane v9, v37;
	[tilespmem:$0x360] =	vst v8  }
0xaf: {  	vm13 =	vlt.u32 v41, $0xA;
	v50 =	vnsel vm10, $0x0, v36;
	v59 =	vperm.xlane v9, v55;
	[tilespmem:$0x300] =	vst v6  }
0xb0: {  	v58 =	vnsel vm13, $0x0, v30;
	v51 =	vperm.xlane v9, v50;
	v4 =	vnsel vm7, $0x0, v42;
	v42 =	vld [tilespmem:$0x1A0];
	[tilespmem:$0x370] =	vst v56  }
0xb1: {  	vm11 =	vlt.u32 v49, $0xA;
	vm9 =	vlt.u32 v44, $0xA;
	v60 =	vperm.xlane v9, v58;
	[tilespmem:$0x490] =	vst v59  }
0xb2: {  	v53 =	vnsel vm11, $0x0, v39;
	v13 =	vperm.xlane v9, v35;
	v1 =	vnsel vm9, $0x0, v33;
	[tilespmem:$0x480] =	vst v51  }
0xb3: {  	v54 =	vadd.s32 $0xFFFFFFFF, v45;
	v1 =	vperm.xlane v9, v1;
	v57 =	vadd.s32 $0xFFFFFFFF, v48;
	[tilespmem:$0x3B0] =	vst v60  }
0xb4: {  	v4 =	vperm.xlane v9, v4;
	vm14 =	vlt.u32 v54, $0xA;
	[tilespmem:$0x380] =	vst v13;
	vm15 =	vlt.u32 v57, $0xA  }
0xb5: {  	v62 =	vnsel vm14, $0x0, v45;
	[tilespmem:$0x420] =	vst v1;
	v1 =	vperm.xlane v9, v53;
	v52 =	vadd.s32 $0xFFFFFFFF, v42  }
0xb6: {  	[tilespmem:$0x320] =	vst v4;
	v63 =	vnsel vm15, $0x0, v48;
	v2 =	vperm.xlane v9, v62;
	vm12 =	vlt.u32 v52, $0xA  }
0xb7: {  	[tilespmem:$0x440] =	vst v1;
	v1 =	vperm.xlane v9, v63;
	v5 =	vnsel vm12, $0x0, v42  }
0xb8: {  	[tilespmem:$0x4F0] =	vst v2;
	v61 =	vperm.xlane v9, v5  }
0xb9: {  	[tilespmem:$0x460] =	vst v1  }
0xba: {  	[tilespmem:$0x4A0] =	vst v61  }
0xbb: {  	[hbm4b:s4+s2] =	stream.linear.scatter [tilespmem:s5], [sflag:$0x2], $0x200, $0x38;
	[tilespmem:$0x500] =	vst v63  }
0xbc: {  	_ =	swait.ge [sflag:s3], $0x200  }
0xbd: {  	[sflag:s3] =	ssyncset.done $0x0  }
0xbe: {  	[sflag:s3] =	ssyncadd.s32 $0xFFFFFE00  }
0xbf: {  	_ =	sfence.sel $0x180000  }
0xc0: {  	[bflag:$0x0] =	sbarrier.arrive $0xFFFF  }
0xc1: {  	p0 =	sne.s32 s1, $0x0;
	_ =	strace $0x90000047  }
0xc2: {  	s0 =	sadd.s32 @!p0 $0x100000, s0;
	[bflag:$0x2] =	sbarrier.arrive $0xFFFF  }
0xc3: {  	[sflag:s0] =	ssyncadd.tile.s32 @!p0 $0x1;
	_ =	shalt  }
.Lfunc_end2:
_tile_overlayer_lowered:
.L_overlay_start_2:
0xc4: {  	(tag) =	ssettag $0x2  }
0xc5: {  	s0 =	rddreg [dreg:$0x0];
	s2 =	stileid.u32  }
0xc6: {  	s1 =	rddreg [dreg:$0x1];
	p0 =	sne.s32 s2, $0x0  }
0xc7: {  	s3 =	rddreg [dreg:$0x2];
	[bflag:$0x3] =	sbarrier.arrive $0xFFFF;
	s2 =	simm.s32 @!p0 $0x1C02  }
0xc8: {  	[timem:s3], [sflag:s2] =	dma.local @!p0 [hbm:s0], s1  }
0xc9: {  	s0 =	simm.s32 @!p0 $0x2  }
0xca: {  	_ =	swait.ge @!p0 [sflag:s0], s1  }
0xcb: {  	s1 =	ssub.s32 @!p0 $0x0, s1;
	[sflag:s0] =	ssyncset.done @!p0 $0x0  }
0xcc: {  	[sflag:s0] =	ssyncadd.s32 @!p0 s1  }
0xcd: {  	[bflag:$0x3] =	sbarrier.arrive $0xFFFF  }
0xce: {  	_ =	shalt  }

</sc_bundles>
